<compile_context>
chip_gen: v7x
topology: tpu7x:2x2x1
jax: 0.10.2.dev20260603
libtpu: 0.0.44.dev20260713+nightly
codegen_flags: <defaults>
</compile_context>

<pallas_src>
import functools

import jax
import jax.numpy as jnp
from jax import lax
from jax.experimental import pallas as pl
from jax.experimental.pallas import tpu as pltpu
from jax.experimental.pallas import tpu_sc as plsc

_W1 = 1.0
_W2 = 1.0
_S1 = 0.5
_S2 = 0.5

_B = 16384
_C = 1000
_NC, _NS, _L = 2, 16, 16
_NW = _NC * _NS
_BPW = _B // _NW
_NG = 8
_K = 64
_NR = _BPW // _K


def _sc_body(preds_hbm, aux_hbm, tgt_hbm, marg_hbm, out_hbm,
             lists_v, vals_v, tgt_v, marg_v, rank_v, cnt_v, acc_v, sem):
    wid = lax.axis_index("s") * _NC + lax.axis_index("c")
    base = wid * _BPW

    pltpu.sync_copy(tgt_hbm.at[pl.ds(base, _BPW)], tgt_v)
    pltpu.sync_copy(marg_hbm.at[pl.ds(base, _BPW)], marg_v)

    lane = lax.iota(jnp.int32, _L)
    zero_i = jnp.zeros((_L,), jnp.int32)
    cnt_v[...] = zero_i

    for g in range(_NG):
        @plsc.parallel_loop(0, _NR * (_K // _L))
        def _memset(j, g=g):
            r = jax.lax.shift_right_logical(j, 2)
            l = jax.lax.bitwise_and(j, jnp.int32(_K // _L - 1))
            off = j * _L
            lists_v[g, r, pl.ds(pl.multiple_of(l * _L, _L), _L)] = (
                base + off + lane)

    def _rank(k, carry):
        off = k * _L
        t = tgt_v[pl.ds(pl.multiple_of(off, _L), _L)]
        gv = jax.lax.shift_right_logical(t, 7)
        rank_in = jnp.zeros((_L,), jnp.int32)
        total = jnp.zeros((_L,), jnp.int32)
        for l in range(_L):
            g_l = jax.lax.squeeze(jax.lax.slice(gv, (l,), (l + 1,)), (0,))
            same = (gv == g_l).astype(jnp.int32)
            rank_in = rank_in + jnp.where(lane > l, same, 0)
            total = total + same
        pre = plsc.load_gather(cnt_v, [gv])
        rank = pre + rank_in
        plsc.store_scatter(
            lists_v,
            [gv, jax.lax.shift_right_logical(rank, 6),
             jax.lax.bitwise_and(rank, jnp.int32(_K - 1))],
            base + off + lane)
        rank_v[pl.ds(pl.multiple_of(off, _L), _L)] = rank
        is_last = rank_in + 1 == total
        plsc.addupdate_scatter(cnt_v, [gv], total, mask=is_last)
        return carry

    lax.fori_loop(0, _BPW // _L, _rank, 0)

    counts = cnt_v[...]
    max_count = jax.lax.reduce_max(counts, axes=(0,))

    def _desc(g, r):
        return pltpu.make_async_copy(
            preds_hbm.at[lists_v.at[g, r],
                         pl.ds(pl.multiple_of(g * 128, 128), 128)],
            vals_v.at[g],
            sem,
        )

    def _tail_desc(r):
        return pltpu.make_async_copy(
            aux_hbm.at[lists_v.at[_NG - 1, r], pl.ds(0, 128)],
            vals_v.at[_NG - 1],
            sem,
        )

    def _round(carry):
        r, acc = carry

        def _fire(g, c):
            _desc(g, r).start()
            return c

        lax.fori_loop(0, _NG - 1, _fire, 0)
        _tail_desc(r).start()

        def _drain(g, c):
            _desc(g, r).wait()
            return c

        lax.fori_loop(0, _NG - 1, _drain, 0)
        _tail_desc(r).wait()

        def _pick(k, acc_in):
            off = k * _L
            t = tgt_v[pl.ds(pl.multiple_of(off, _L), _L)]
            m = marg_v[pl.ds(pl.multiple_of(off, _L), _L)]
            rank = rank_v[pl.ds(pl.multiple_of(off, _L), _L)]
            gv = jax.lax.shift_right_logical(t, 7)
            col = jnp.where(t >= 896, t - 896,
                            jax.lax.bitwise_and(t, jnp.int32(127)))
            rw = rank - r * _K
            win = jnp.logical_and(rw >= 0, rw < _K)
            rw = jnp.clip(rw, 0, _K - 1)
            v = plsc.load_gather(vals_v, [gv, rw, col], mask=win)
            pos = jnp.logical_and(win, m > 0)
            neg = jnp.logical_and(win, m < 0)
            w1 = _W1 * jnp.exp(-_S1 * m * m)
            w2 = _W2 * jnp.exp(-_S2 * m * m)
            return (acc_in + jnp.where(pos, w1 * v, 0.0)
                    + jnp.where(neg, w2 * v, 0.0))

        acc = lax.fori_loop(0, _BPW // _L, _pick, acc)
        return r + 1, acc

    def _cond(carry):
        r, _ = carry
        return r * _K < max_count

    _, acc = lax.while_loop(_cond, _round,
                            (jnp.int32(0), jnp.zeros((_L,), jnp.float32)))
    acc_v[...] = acc
    pltpu.sync_copy(acc_v, out_hbm.at[wid])


@functools.partial(
    pl.kernel,
    out_type=jax.ShapeDtypeStruct((_NW, _L), jnp.float32),
    mesh=plsc.VectorSubcoreMesh(core_axis_name="c", subcore_axis_name="s"),
    compiler_params=pltpu.CompilerParams(needs_layout_passes=False, skip_device_barrier=True, allow_input_fusion=[True, True, True, True]),
    scratch_types=[
        pltpu.VMEM((_NG, _NR, _K), jnp.int32),
        pltpu.VMEM((_NG, _K, 128), jnp.float32),
        pltpu.VMEM((_BPW,), jnp.int32),
        pltpu.VMEM((_BPW,), jnp.float32),
        pltpu.VMEM((_BPW,), jnp.int32),
        pltpu.VMEM((_L,), jnp.int32),
        pltpu.VMEM((_L,), jnp.float32),
        pltpu.SemaphoreType.DMA,
    ],
)
def _sc_partial_sums(preds_hbm, aux_hbm, tgt_hbm, marg_hbm, out_hbm,
                     lists_v, vals_v, tgt_v, marg_v, rank_v, cnt_v, acc_v,
                     sem):
    _sc_body(preds_hbm, aux_hbm, tgt_hbm, marg_hbm, out_hbm,
             lists_v, vals_v, tgt_v, marg_v, rank_v, cnt_v, acc_v, sem)


def kernel(preds, targets, margin):
    aux = jnp.pad(preds[:, 896:], ((0, 0), (0, 1024 - _C)))
    partials = _sc_partial_sums(preds, aux, targets, margin)
    return -jnp.sum(partials) / margin.shape[0]

# --- scband reference (transcript-rebuilt; emitter-appended) ---
"""Pipeline reference for scband-similar-distribution-7670811590932 (READ-ONLY COPY).

The authoritative reference and input builder live on the scoring server;
editing this copy changes nothing except your own understanding.
"""

import jax, jax.numpy as jnp
import numpy as np

WEIGHT1 = 1.0
WEIGHT2 = 1.0
SIGMA1 = 0.5
SIGMA2 = 0.5


def setup_inputs(seed: int = 0) -> dict:
    key = jax.random.key(seed)
    k1, k2, k3 = jax.random.split(key, 3)
    B, C = 16384, 1000
    preds = jax.random.normal(k1, (B, C), dtype=jnp.float32)
    targets = jax.random.randint(k2, (B,), 0, C, dtype=jnp.int32)
    margin = jax.random.normal(k3, (B,), dtype=jnp.float32)
    return {"preds": preds, "targets": targets, "margin": margin}


def reference(preds, targets, margin):
    B = preds.shape[0]
    # N = preds[arange(B), targets]  (row-wise gather of the target-class logit)
    N = jnp.take_along_axis(preds, targets[:, None].astype(jnp.int32), axis=1)[:, 0]
    pos = margin > 0
    neg = margin < 0
    # filtered_N1 / filtered_N: N values masked by margin sign (zeros elsewhere)
    filtered_N1 = jnp.where(pos, N, jnp.zeros_like(N))
    filtered_N = jnp.where(neg, N, jnp.zeros_like(N))
    # filtered margins (computed under no_grad in the original)
    x_pos = jnp.where(pos, margin, jnp.zeros_like(margin))
    x_neg = jnp.where(neg, margin, jnp.zeros_like(margin))
    # f(x, alpha, beta) = alpha * exp(-beta * x**2); weights are non-differentiable constants
    w1 = jax.lax.stop_gradient(WEIGHT1 * jnp.exp(-SIGMA1 * x_pos ** 2))
    w2 = jax.lax.stop_gradient(WEIGHT2 * jnp.exp(-SIGMA2 * x_neg ** 2))
    loss1 = jnp.sum(w1 * filtered_N1)
    loss2 = jnp.sum(w2 * filtered_N)
    loss = -(loss1 + loss2) / margin.shape[0]
    return loss

if __name__ == "__main__":
    import jax
    _d = setup_inputs()
    print(jax.jit(kernel)(*tuple(_d.values())))

</pallas_src>

<mosaic_0001>
#map = affine_map<(d0, d1) -> (0, 0)>
#map1 = affine_map<(d0, d1) -> (0)>
module attributes {stable_mosaic.version = 14 : i64} {
  func.func @_sc_partial_sums(%arg0: i32, %arg1: i32, %arg2: memref<16384x1000xf32, #tpu.memory_space<hbm>>, %arg3: memref<16384x128xf32, #tpu.memory_space<hbm>>, %arg4: memref<16384xi32, #tpu.memory_space<hbm>>, %arg5: memref<16384xf32, #tpu.memory_space<hbm>>, %arg6: memref<32x16xf32, #tpu.memory_space<hbm>>, %arg7: memref<8x8x64xi32, #tpu.memory_space<vmem>>, %arg8: memref<8x64x128xf32, #tpu.memory_space<vmem>>, %arg9: memref<512xi32, #tpu.memory_space<vmem>>, %arg10: memref<512xf32, #tpu.memory_space<vmem>>, %arg11: memref<512xi32, #tpu.memory_space<vmem>>, %arg12: memref<16xi32, #tpu.memory_space<vmem>>, %arg13: memref<16xf32, #tpu.memory_space<vmem>>, %arg14: memref<!tpu.dma_semaphore, #tpu.memory_space<semaphore_mem>>) attributes {dimension_semantics = [#tpu.dimension_semantics<core_parallel>, #tpu.dimension_semantics<subcore_parallel>], iteration_bounds = array<i64: 2, 16>, scalar_prefetch = 0 : i64, scratch_operands = 8 : i64, tpu.core_type = #tpu.core_type<sc_vector_subcore>, window_params = [{transform_indices = #map}, {transform_indices = #map}, {transform_indices = #map1}, {transform_indices = #map1}, {transform_indices = #map}]} {
    %mul3A = arith.constant 2 : i32
    %mul3A_0 = arith.muli %arg1, %mul3A : i32
    %add3A = arith.addi %mul3A_0, %arg0 : i32
    %mul3A_1 = arith.constant 512 : i32
    %mul3A_2 = arith.muli %add3A, %mul3A_1 : i32
    "tpu.region"() ({
      %run_scoped3A = tpu.sem_alloc : memref<!tpu.dma_semaphore, #tpu.memory_space<semaphore_mem>>
      %dma_start3A = tpu.memref_slice %arg4[%mul3A_2] : memref<16384xi32, #tpu.memory_space<hbm>> -> memref<512xi32, #tpu.memory_space<hbm>>
      %dma_start3A_46 = tpu.memref_slice %arg4[%mul3A_2] : memref<16384xi32, #tpu.memory_space<hbm>> -> memref<512xi32, #tpu.memory_space<hbm>>
      tpu.enqueue_dma source(%dma_start3A_46 : memref<512xi32, #tpu.memory_space<hbm>>) target(%arg9 : memref<512xi32, #tpu.memory_space<vmem>>) target_semaphore(%run_scoped3A : memref<!tpu.dma_semaphore, #tpu.memory_space<semaphore_mem>>)
      %dma_wait3A = tpu.memref_slice %arg4[%mul3A_2] : memref<16384xi32, #tpu.memory_space<hbm>> -> memref<512xi32, #tpu.memory_space<hbm>>
      %dma_wait3A_47 = tpu.memref_slice %arg4[%mul3A_2] : memref<16384xi32, #tpu.memory_space<hbm>> -> memref<512xi32, #tpu.memory_space<hbm>>
      tpu.wait_dma2 semaphore(%run_scoped3A : memref<!tpu.dma_semaphore, #tpu.memory_space<semaphore_mem>>) src(%dma_wait3A_47 : memref<512xi32, #tpu.memory_space<hbm>>) dst(%arg9 : memref<512xi32, #tpu.memory_space<vmem>>)
      tpu.yield
    }) : () -> ()
    "tpu.region"() ({
      %run_scoped3A = tpu.sem_alloc : memref<!tpu.dma_semaphore, #tpu.memory_space<semaphore_mem>>
      %dma_start3A = tpu.memref_slice %arg5[%mul3A_2] : memref<16384xf32, #tpu.memory_space<hbm>> -> memref<512xf32, #tpu.memory_space<hbm>>
      %dma_start3A_46 = tpu.memref_slice %arg5[%mul3A_2] : memref<16384xf32, #tpu.memory_space<hbm>> -> memref<512xf32, #tpu.memory_space<hbm>>
      tpu.enqueue_dma source(%dma_start3A_46 : memref<512xf32, #tpu.memory_space<hbm>>) target(%arg10 : memref<512xf32, #tpu.memory_space<vmem>>) target_semaphore(%run_scoped3A : memref<!tpu.dma_semaphore, #tpu.memory_space<semaphore_mem>>)
      %dma_wait3A = tpu.memref_slice %arg5[%mul3A_2] : memref<16384xf32, #tpu.memory_space<hbm>> -> memref<512xf32, #tpu.memory_space<hbm>>
      %dma_wait3A_47 = tpu.memref_slice %arg5[%mul3A_2] : memref<16384xf32, #tpu.memory_space<hbm>> -> memref<512xf32, #tpu.memory_space<hbm>>
      tpu.wait_dma2 semaphore(%run_scoped3A : memref<!tpu.dma_semaphore, #tpu.memory_space<semaphore_mem>>) src(%dma_wait3A_47 : memref<512xf32, #tpu.memory_space<hbm>>) dst(%arg10 : memref<512xf32, #tpu.memory_space<vmem>>)
      tpu.yield
    }) : () -> ()
    %iota3A = tpu.iota {dimensions = array<i32: 0>} : vector<16xi32>
    %broadcast_in_dim3A = arith.constant 0 : i32
    %broadcast_in_dim3A_3 = vector.broadcast %broadcast_in_dim3A : i32 to vector<16xi32>
    %swap3A = arith.constant 0 : index
    %swap3A_4 = tpu.vector_load %arg12[%swap3A] {strides = array<i32>} : memref<16xi32, #tpu.memory_space<vmem>>, vector<16xi32>,
    tpu.vector_store %arg12[%swap3A], %broadcast_in_dim3A_3 {strides = array<i32>} : memref<16xi32, #tpu.memory_space<vmem>>, vector<16xi32>,
    %parallel_loop3A = arith.constant 0 : i32
    %parallel_loop3A_5 = arith.constant 32 : i32
    %parallel_loop3A_6 = arith.constant 1 : i32
    scf.for %parallel_loop3A_46 = %parallel_loop3A to %parallel_loop3A_5 step %parallel_loop3A_6  : i32 {
      %parallel_loop3A_47 = arith.constant 2 : i32
      %parallel_loop3A_48 = arith.shrui %parallel_loop3A_46, %parallel_loop3A_47 : i32
      %parallel_loop3A_49 = arith.constant 3 : i32
      %parallel_loop3A_50 = arith.andi %parallel_loop3A_46, %parallel_loop3A_49 : i32
      %parallel_loop3A_51 = arith.constant 16 : i32
      %parallel_loop3A_52 = arith.muli %parallel_loop3A_46, %parallel_loop3A_51 : i32
      %parallel_loop3A_53 = arith.addi %mul3A_2, %parallel_loop3A_52 : i32
      %parallel_loop3A_54 = vector.broadcast %parallel_loop3A_53 : i32 to vector<16xi32>
      %parallel_loop3A_55 = arith.addi %parallel_loop3A_54, %iota3A : vector<16xi32>
      %parallel_loop3A_56 = arith.constant 16 : i32
      %parallel_loop3A_57 = arith.muli %parallel_loop3A_50, %parallel_loop3A_56 : i32
      %parallel_loop3A_58 = tpu.assume_multiple %parallel_loop3A_57, 16 : i32
      %parallel_loop3A_59 = arith.constant 0 : i32
      %parallel_loop3A_60 = arith.index_cast %parallel_loop3A_59 : i32 to index
      %parallel_loop3A_61 = arith.index_cast %parallel_loop3A_48 : i32 to index
      %parallel_loop3A_62 = arith.index_cast %parallel_loop3A_58 : i32 to index
      %parallel_loop3A_63 = tpu.vector_load %arg7[%parallel_loop3A_60, %parallel_loop3A_61, %parallel_loop3A_62] {strides = array<i32>} : memref<8x8x64xi32, #tpu.memory_space<vmem>>, vector<16xi32>,
      tpu.vector_store %arg7[%parallel_loop3A_60, %parallel_loop3A_61, %parallel_loop3A_62], %parallel_loop3A_55 {strides = array<i32>} : memref<8x8x64xi32, #tpu.memory_space<vmem>>, vector<16xi32>,
    } {sc.loop_unroll_factor = 1 : i64, sc.parallel_access}
    %parallel_loop3A_7 = arith.constant 0 : i32
    %parallel_loop3A_8 = arith.constant 32 : i32
    %parallel_loop3A_9 = arith.constant 1 : i32
    scf.for %parallel_loop3A_46 = %parallel_loop3A_7 to %parallel_loop3A_8 step %parallel_loop3A_9  : i32 {
      %parallel_loop3A_47 = arith.constant 2 : i32
      %parallel_loop3A_48 = arith.shrui %parallel_loop3A_46, %parallel_loop3A_47 : i32
      %parallel_loop3A_49 = arith.constant 3 : i32
      %parallel_loop3A_50 = arith.andi %parallel_loop3A_46, %parallel_loop3A_49 : i32
      %parallel_loop3A_51 = arith.constant 16 : i32
      %parallel_loop3A_52 = arith.muli %parallel_loop3A_46, %parallel_loop3A_51 : i32
      %parallel_loop3A_53 = arith.addi %mul3A_2, %parallel_loop3A_52 : i32
      %parallel_loop3A_54 = vector.broadcast %parallel_loop3A_53 : i32 to vector<16xi32>
      %parallel_loop3A_55 = arith.addi %parallel_loop3A_54, %iota3A : vector<16xi32>
      %parallel_loop3A_56 = arith.constant 16 : i32
      %parallel_loop3A_57 = arith.muli %parallel_loop3A_50, %parallel_loop3A_56 : i32
      %parallel_loop3A_58 = tpu.assume_multiple %parallel_loop3A_57, 16 : i32
      %parallel_loop3A_59 = arith.constant 1 : i32
      %parallel_loop3A_60 = arith.index_cast %parallel_loop3A_59 : i32 to index
      %parallel_loop3A_61 = arith.index_cast %parallel_loop3A_48 : i32 to index
      %parallel_loop3A_62 = arith.index_cast %parallel_loop3A_58 : i32 to index
      %parallel_loop3A_63 = tpu.vector_load %arg7[%parallel_loop3A_60, %parallel_loop3A_61, %parallel_loop3A_62] {strides = array<i32>} : memref<8x8x64xi32, #tpu.memory_space<vmem>>, vector<16xi32>,
      tpu.vector_store %arg7[%parallel_loop3A_60, %parallel_loop3A_61, %parallel_loop3A_62], %parallel_loop3A_55 {strides = array<i32>} : memref<8x8x64xi32, #tpu.memory_space<vmem>>, vector<16xi32>,
    } {sc.loop_unroll_factor = 1 : i64, sc.parallel_access}
    %parallel_loop3A_10 = arith.constant 0 : i32
    %parallel_loop3A_11 = arith.constant 32 : i32
    %parallel_loop3A_12 = arith.constant 1 : i32
    scf.for %parallel_loop3A_46 = %parallel_loop3A_10 to %parallel_loop3A_11 step %parallel_loop3A_12  : i32 {
      %parallel_loop3A_47 = arith.constant 2 : i32
      %parallel_loop3A_48 = arith.shrui %parallel_loop3A_46, %parallel_loop3A_47 : i32
      %parallel_loop3A_49 = arith.constant 3 : i32
      %parallel_loop3A_50 = arith.andi %parallel_loop3A_46, %parallel_loop3A_49 : i32
      %parallel_loop3A_51 = arith.constant 16 : i32
      %parallel_loop3A_52 = arith.muli %parallel_loop3A_46, %parallel_loop3A_51 : i32
      %parallel_loop3A_53 = arith.addi %mul3A_2, %parallel_loop3A_52 : i32
      %parallel_loop3A_54 = vector.broadcast %parallel_loop3A_53 : i32 to vector<16xi32>
      %parallel_loop3A_55 = arith.addi %parallel_loop3A_54, %iota3A : vector<16xi32>
      %parallel_loop3A_56 = arith.constant 16 : i32
      %parallel_loop3A_57 = arith.muli %parallel_loop3A_50, %parallel_loop3A_56 : i32
      %parallel_loop3A_58 = tpu.assume_multiple %parallel_loop3A_57, 16 : i32
      %parallel_loop3A_59 = arith.constant 2 : i32
      %parallel_loop3A_60 = arith.index_cast %parallel_loop3A_59 : i32 to index
      %parallel_loop3A_61 = arith.index_cast %parallel_loop3A_48 : i32 to index
      %parallel_loop3A_62 = arith.index_cast %parallel_loop3A_58 : i32 to index
      %parallel_loop3A_63 = tpu.vector_load %arg7[%parallel_loop3A_60, %parallel_loop3A_61, %parallel_loop3A_62] {strides = array<i32>} : memref<8x8x64xi32, #tpu.memory_space<vmem>>, vector<16xi32>,
      tpu.vector_store %arg7[%parallel_loop3A_60, %parallel_loop3A_61, %parallel_loop3A_62], %parallel_loop3A_55 {strides = array<i32>} : memref<8x8x64xi32, #tpu.memory_space<vmem>>, vector<16xi32>,
    } {sc.loop_unroll_factor = 1 : i64, sc.parallel_access}
    %parallel_loop3A_13 = arith.constant 0 : i32
    %parallel_loop3A_14 = arith.constant 32 : i32
    %parallel_loop3A_15 = arith.constant 1 : i32
    scf.for %parallel_loop3A_46 = %parallel_loop3A_13 to %parallel_loop3A_14 step %parallel_loop3A_15  : i32 {
      %parallel_loop3A_47 = arith.constant 2 : i32
      %parallel_loop3A_48 = arith.shrui %parallel_loop3A_46, %parallel_loop3A_47 : i32
      %parallel_loop3A_49 = arith.constant 3 : i32
      %parallel_loop3A_50 = arith.andi %parallel_loop3A_46, %parallel_loop3A_49 : i32
      %parallel_loop3A_51 = arith.constant 16 : i32
      %parallel_loop3A_52 = arith.muli %parallel_loop3A_46, %parallel_loop3A_51 : i32
      %parallel_loop3A_53 = arith.addi %mul3A_2, %parallel_loop3A_52 : i32
      %parallel_loop3A_54 = vector.broadcast %parallel_loop3A_53 : i32 to vector<16xi32>
      %parallel_loop3A_55 = arith.addi %parallel_loop3A_54, %iota3A : vector<16xi32>
      %parallel_loop3A_56 = arith.constant 16 : i32
      %parallel_loop3A_57 = arith.muli %parallel_loop3A_50, %parallel_loop3A_56 : i32
      %parallel_loop3A_58 = tpu.assume_multiple %parallel_loop3A_57, 16 : i32
      %parallel_loop3A_59 = arith.constant 3 : i32
      %parallel_loop3A_60 = arith.index_cast %parallel_loop3A_59 : i32 to index
      %parallel_loop3A_61 = arith.index_cast %parallel_loop3A_48 : i32 to index
      %parallel_loop3A_62 = arith.index_cast %parallel_loop3A_58 : i32 to index
      %parallel_loop3A_63 = tpu.vector_load %arg7[%parallel_loop3A_60, %parallel_loop3A_61, %parallel_loop3A_62] {strides = array<i32>} : memref<8x8x64xi32, #tpu.memory_space<vmem>>, vector<16xi32>,
      tpu.vector_store %arg7[%parallel_loop3A_60, %parallel_loop3A_61, %parallel_loop3A_62], %parallel_loop3A_55 {strides = array<i32>} : memref<8x8x64xi32, #tpu.memory_space<vmem>>, vector<16xi32>,
    } {sc.loop_unroll_factor = 1 : i64, sc.parallel_access}
    %parallel_loop3A_16 = arith.constant 0 : i32
    %parallel_loop3A_17 = arith.constant 32 : i32
    %parallel_loop3A_18 = arith.constant 1 : i32
    scf.for %parallel_loop3A_46 = %parallel_loop3A_16 to %parallel_loop3A_17 step %parallel_loop3A_18  : i32 {
      %parallel_loop3A_47 = arith.constant 2 : i32
      %parallel_loop3A_48 = arith.shrui %parallel_loop3A_46, %parallel_loop3A_47 : i32
      %parallel_loop3A_49 = arith.constant 3 : i32
      %parallel_loop3A_50 = arith.andi %parallel_loop3A_46, %parallel_loop3A_49 : i32
      %parallel_loop3A_51 = arith.constant 16 : i32
      %parallel_loop3A_52 = arith.muli %parallel_loop3A_46, %parallel_loop3A_51 : i32
      %parallel_loop3A_53 = arith.addi %mul3A_2, %parallel_loop3A_52 : i32
      %parallel_loop3A_54 = vector.broadcast %parallel_loop3A_53 : i32 to vector<16xi32>
      %parallel_loop3A_55 = arith.addi %parallel_loop3A_54, %iota3A : vector<16xi32>
      %parallel_loop3A_56 = arith.constant 16 : i32
      %parallel_loop3A_57 = arith.muli %parallel_loop3A_50, %parallel_loop3A_56 : i32
      %parallel_loop3A_58 = tpu.assume_multiple %parallel_loop3A_57, 16 : i32
      %parallel_loop3A_59 = arith.constant 4 : i32
      %parallel_loop3A_60 = arith.index_cast %parallel_loop3A_59 : i32 to index
      %parallel_loop3A_61 = arith.index_cast %parallel_loop3A_48 : i32 to index
      %parallel_loop3A_62 = arith.index_cast %parallel_loop3A_58 : i32 to index
      %parallel_loop3A_63 = tpu.vector_load %arg7[%parallel_loop3A_60, %parallel_loop3A_61, %parallel_loop3A_62] {strides = array<i32>} : memref<8x8x64xi32, #tpu.memory_space<vmem>>, vector<16xi32>,
      tpu.vector_store %arg7[%parallel_loop3A_60, %parallel_loop3A_61, %parallel_loop3A_62], %parallel_loop3A_55 {strides = array<i32>} : memref<8x8x64xi32, #tpu.memory_space<vmem>>, vector<16xi32>,
    } {sc.loop_unroll_factor = 1 : i64, sc.parallel_access}
    %parallel_loop3A_19 = arith.constant 0 : i32
    %parallel_loop3A_20 = arith.constant 32 : i32
    %parallel_loop3A_21 = arith.constant 1 : i32
    scf.for %parallel_loop3A_46 = %parallel_loop3A_19 to %parallel_loop3A_20 step %parallel_loop3A_21  : i32 {
      %parallel_loop3A_47 = arith.constant 2 : i32
      %parallel_loop3A_48 = arith.shrui %parallel_loop3A_46, %parallel_loop3A_47 : i32
      %parallel_loop3A_49 = arith.constant 3 : i32
      %parallel_loop3A_50 = arith.andi %parallel_loop3A_46, %parallel_loop3A_49 : i32
      %parallel_loop3A_51 = arith.constant 16 : i32
      %parallel_loop3A_52 = arith.muli %parallel_loop3A_46, %parallel_loop3A_51 : i32
      %parallel_loop3A_53 = arith.addi %mul3A_2, %parallel_loop3A_52 : i32
      %parallel_loop3A_54 = vector.broadcast %parallel_loop3A_53 : i32 to vector<16xi32>
      %parallel_loop3A_55 = arith.addi %parallel_loop3A_54, %iota3A : vector<16xi32>
      %parallel_loop3A_56 = arith.constant 16 : i32
      %parallel_loop3A_57 = arith.muli %parallel_loop3A_50, %parallel_loop3A_56 : i32
      %parallel_loop3A_58 = tpu.assume_multiple %parallel_loop3A_57, 16 : i32
      %parallel_loop3A_59 = arith.constant 5 : i32
      %parallel_loop3A_60 = arith.index_cast %parallel_loop3A_59 : i32 to index
      %parallel_loop3A_61 = arith.index_cast %parallel_loop3A_48 : i32 to index
      %parallel_loop3A_62 = arith.index_cast %parallel_loop3A_58 : i32 to index
      %parallel_loop3A_63 = tpu.vector_load %arg7[%parallel_loop3A_60, %parallel_loop3A_61, %parallel_loop3A_62] {strides = array<i32>} : memref<8x8x64xi32, #tpu.memory_space<vmem>>, vector<16xi32>,
      tpu.vector_store %arg7[%parallel_loop3A_60, %parallel_loop3A_61, %parallel_loop3A_62], %parallel_loop3A_55 {strides = array<i32>} : memref<8x8x64xi32, #tpu.memory_space<vmem>>, vector<16xi32>,
    } {sc.loop_unroll_factor = 1 : i64, sc.parallel_access}
    %parallel_loop3A_22 = arith.constant 0 : i32
    %parallel_loop3A_23 = arith.constant 32 : i32
    %parallel_loop3A_24 = arith.constant 1 : i32
    scf.for %parallel_loop3A_46 = %parallel_loop3A_22 to %parallel_loop3A_23 step %parallel_loop3A_24  : i32 {
      %parallel_loop3A_47 = arith.constant 2 : i32
      %parallel_loop3A_48 = arith.shrui %parallel_loop3A_46, %parallel_loop3A_47 : i32
      %parallel_loop3A_49 = arith.constant 3 : i32
      %parallel_loop3A_50 = arith.andi %parallel_loop3A_46, %parallel_loop3A_49 : i32
      %parallel_loop3A_51 = arith.constant 16 : i32
      %parallel_loop3A_52 = arith.muli %parallel_loop3A_46, %parallel_loop3A_51 : i32
      %parallel_loop3A_53 = arith.addi %mul3A_2, %parallel_loop3A_52 : i32
      %parallel_loop3A_54 = vector.broadcast %parallel_loop3A_53 : i32 to vector<16xi32>
      %parallel_loop3A_55 = arith.addi %parallel_loop3A_54, %iota3A : vector<16xi32>
      %parallel_loop3A_56 = arith.constant 16 : i32
      %parallel_loop3A_57 = arith.muli %parallel_loop3A_50, %parallel_loop3A_56 : i32
      %parallel_loop3A_58 = tpu.assume_multiple %parallel_loop3A_57, 16 : i32
      %parallel_loop3A_59 = arith.constant 6 : i32
      %parallel_loop3A_60 = arith.index_cast %parallel_loop3A_59 : i32 to index
      %parallel_loop3A_61 = arith.index_cast %parallel_loop3A_48 : i32 to index
      %parallel_loop3A_62 = arith.index_cast %parallel_loop3A_58 : i32 to index
      %parallel_loop3A_63 = tpu.vector_load %arg7[%parallel_loop3A_60, %parallel_loop3A_61, %parallel_loop3A_62] {strides = array<i32>} : memref<8x8x64xi32, #tpu.memory_space<vmem>>, vector<16xi32>,
      tpu.vector_store %arg7[%parallel_loop3A_60, %parallel_loop3A_61, %parallel_loop3A_62], %parallel_loop3A_55 {strides = array<i32>} : memref<8x8x64xi32, #tpu.memory_space<vmem>>, vector<16xi32>,
    } {sc.loop_unroll_factor = 1 : i64, sc.parallel_access}
    %parallel_loop3A_25 = arith.constant 0 : i32
    %parallel_loop3A_26 = arith.constant 32 : i32
    %parallel_loop3A_27 = arith.constant 1 : i32
    scf.for %parallel_loop3A_46 = %parallel_loop3A_25 to %parallel_loop3A_26 step %parallel_loop3A_27  : i32 {
      %parallel_loop3A_47 = arith.constant 2 : i32
      %parallel_loop3A_48 = arith.shrui %parallel_loop3A_46, %parallel_loop3A_47 : i32
      %parallel_loop3A_49 = arith.constant 3 : i32
      %parallel_loop3A_50 = arith.andi %parallel_loop3A_46, %parallel_loop3A_49 : i32
      %parallel_loop3A_51 = arith.constant 16 : i32
      %parallel_loop3A_52 = arith.muli %parallel_loop3A_46, %parallel_loop3A_51 : i32
      %parallel_loop3A_53 = arith.addi %mul3A_2, %parallel_loop3A_52 : i32
      %parallel_loop3A_54 = vector.broadcast %parallel_loop3A_53 : i32 to vector<16xi32>
      %parallel_loop3A_55 = arith.addi %parallel_loop3A_54, %iota3A : vector<16xi32>
      %parallel_loop3A_56 = arith.constant 16 : i32
      %parallel_loop3A_57 = arith.muli %parallel_loop3A_50, %parallel_loop3A_56 : i32
      %parallel_loop3A_58 = tpu.assume_multiple %parallel_loop3A_57, 16 : i32
      %parallel_loop3A_59 = arith.constant 7 : i32
      %parallel_loop3A_60 = arith.index_cast %parallel_loop3A_59 : i32 to index
      %parallel_loop3A_61 = arith.index_cast %parallel_loop3A_48 : i32 to index
      %parallel_loop3A_62 = arith.index_cast %parallel_loop3A_58 : i32 to index
      %parallel_loop3A_63 = tpu.vector_load %arg7[%parallel_loop3A_60, %parallel_loop3A_61, %parallel_loop3A_62] {strides = array<i32>} : memref<8x8x64xi32, #tpu.memory_space<vmem>>, vector<16xi32>,
      tpu.vector_store %arg7[%parallel_loop3A_60, %parallel_loop3A_61, %parallel_loop3A_62], %parallel_loop3A_55 {strides = array<i32>} : memref<8x8x64xi32, #tpu.memory_space<vmem>>, vector<16xi32>,
    } {sc.loop_unroll_factor = 1 : i64, sc.parallel_access}
    %scan3A = arith.constant 0 : i32
    %scan3A_28 = arith.constant 0 : i32
    %scan3A_29 = arith.constant 32 : i32
    %scan3A_30 = arith.addi %scan3A_28, %scan3A_29 : i32
    %scan3A_31 = arith.constant 1 : i32
    scf.for %scan3A_46 = %scan3A_28 to %scan3A_30 step %scan3A_31  : i32 {
      %mul3A_47 = arith.constant 16 : i32
      %mul3A_48 = arith.muli %scan3A_46, %mul3A_47 : i32
      %multiple_of3A = tpu.assume_multiple %mul3A_48, 16 : i32
      %get3A_49 = arith.index_cast %multiple_of3A : i32 to index
      %get3A_50 = tpu.vector_load %arg9[%get3A_49] {strides = array<i32>} : memref<512xi32, #tpu.memory_space<vmem>>, vector<16xi32>,
      %shift_right_logical3A = arith.constant 7 : i32
      %shift_right_logical3A_51 = vector.broadcast %shift_right_logical3A : i32 to vector<16xi32>
      %shift_right_logical3A_52 = arith.shrui %get3A_50, %shift_right_logical3A_51 : vector<16xi32>
      %broadcast_in_dim3A_53 = arith.constant 0 : i32
      %broadcast_in_dim3A_54 = vector.broadcast %broadcast_in_dim3A_53 : i32 to vector<16xi32>
      %broadcast_in_dim3A_55 = arith.constant 0 : i32
      %broadcast_in_dim3A_56 = vector.broadcast %broadcast_in_dim3A_55 : i32 to vector<16xi32>
      %slice3A = vector.extract_strided_slice %shift_right_logical3A_52 {offsets = [0], sizes = [1], strides = [1]} : vector<16xi32> to vector<1xi32>
      %squeeze3A = vector.extract %slice3A[0] : i32 from vector<1xi32>
      %eq3A = vector.broadcast %squeeze3A : i32 to vector<16xi32>
      %eq3A_57 = arith.cmpi eq, %shift_right_logical3A_52, %eq3A : vector<16xi32>
      %convert_element_type3A = arith.extui %eq3A_57 : vector<16xi1> to vector<16xi32>
      %gt3A = arith.constant 0 : i32
      %gt3A_58 = vector.broadcast %gt3A : i32 to vector<16xi32>
      %gt3A_59 = arith.cmpi sgt, %iota3A, %gt3A_58 : vector<16xi32>
      %jit3A = arith.constant 0 : i32
      %broadcast_in_dim3A_60 = vector.broadcast %jit3A : i32 to vector<16xi32>
      %select_n3A = arith.select %gt3A_59, %convert_element_type3A, %broadcast_in_dim3A_60 : vector<16xi1>, vector<16xi32>
      %add3A_61 = arith.addi %broadcast_in_dim3A_54, %select_n3A : vector<16xi32>
      %add3A_62 = arith.addi %broadcast_in_dim3A_56, %convert_element_type3A : vector<16xi32>
      %slice3A_63 = vector.extract_strided_slice %shift_right_logical3A_52 {offsets = [1], sizes = [1], strides = [1]} : vector<16xi32> to vector<1xi32>
      %squeeze3A_64 = vector.extract %slice3A_63[0] : i32 from vector<1xi32>
      %eq3A_65 = vector.broadcast %squeeze3A_64 : i32 to vector<16xi32>
      %eq3A_66 = arith.cmpi eq, %shift_right_logical3A_52, %eq3A_65 : vector<16xi32>
      %convert_element_type3A_67 = arith.extui %eq3A_66 : vector<16xi1> to vector<16xi32>
      %gt3A_68 = arith.constant 1 : i32
      %gt3A_69 = vector.broadcast %gt3A_68 : i32 to vector<16xi32>
      %gt3A_70 = arith.cmpi sgt, %iota3A, %gt3A_69 : vector<16xi32>
      %jit3A_71 = arith.constant 0 : i32
      %broadcast_in_dim3A_72 = vector.broadcast %jit3A_71 : i32 to vector<16xi32>
      %select_n3A_73 = arith.select %gt3A_70, %convert_element_type3A_67, %broadcast_in_dim3A_72 : vector<16xi1>, vector<16xi32>
      %add3A_74 = arith.addi %add3A_61, %select_n3A_73 : vector<16xi32>
      %add3A_75 = arith.addi %add3A_62, %convert_element_type3A_67 : vector<16xi32>
      %slice3A_76 = vector.extract_strided_slice %shift_right_logical3A_52 {offsets = [2], sizes = [1], strides = [1]} : vector<16xi32> to vector<1xi32>
      %squeeze3A_77 = vector.extract %slice3A_76[0] : i32 from vector<1xi32>
      %eq3A_78 = vector.broadcast %squeeze3A_77 : i32 to vector<16xi32>
      %eq3A_79 = arith.cmpi eq, %shift_right_logical3A_52, %eq3A_78 : vector<16xi32>
      %convert_element_type3A_80 = arith.extui %eq3A_79 : vector<16xi1> to vector<16xi32>
      %gt3A_81 = arith.constant 2 : i32
      %gt3A_82 = vector.broadcast %gt3A_81 : i32 to vector<16xi32>
      %gt3A_83 = arith.cmpi sgt, %iota3A, %gt3A_82 : vector<16xi32>
      %jit3A_84 = arith.constant 0 : i32
      %broadcast_in_dim3A_85 = vector.broadcast %jit3A_84 : i32 to vector<16xi32>
      %select_n3A_86 = arith.select %gt3A_83, %convert_element_type3A_80, %broadcast_in_dim3A_85 : vector<16xi1>, vector<16xi32>
      %add3A_87 = arith.addi %add3A_74, %select_n3A_86 : vector<16xi32>
      %add3A_88 = arith.addi %add3A_75, %convert_element_type3A_80 : vector<16xi32>
      %slice3A_89 = vector.extract_strided_slice %shift_right_logical3A_52 {offsets = [3], sizes = [1], strides = [1]} : vector<16xi32> to vector<1xi32>
      %squeeze3A_90 = vector.extract %slice3A_89[0] : i32 from vector<1xi32>
      %eq3A_91 = vector.broadcast %squeeze3A_90 : i32 to vector<16xi32>
      %eq3A_92 = arith.cmpi eq, %shift_right_logical3A_52, %eq3A_91 : vector<16xi32>
      %convert_element_type3A_93 = arith.extui %eq3A_92 : vector<16xi1> to vector<16xi32>
      %gt3A_94 = arith.constant 3 : i32
      %gt3A_95 = vector.broadcast %gt3A_94 : i32 to vector<16xi32>
      %gt3A_96 = arith.cmpi sgt, %iota3A, %gt3A_95 : vector<16xi32>
      %jit3A_97 = arith.constant 0 : i32
      %broadcast_in_dim3A_98 = vector.broadcast %jit3A_97 : i32 to vector<16xi32>
      %select_n3A_99 = arith.select %gt3A_96, %convert_element_type3A_93, %broadcast_in_dim3A_98 : vector<16xi1>, vector<16xi32>
      %add3A_100 = arith.addi %add3A_87, %select_n3A_99 : vector<16xi32>
      %add3A_101 = arith.addi %add3A_88, %convert_element_type3A_93 : vector<16xi32>
      %slice3A_102 = vector.extract_strided_slice %shift_right_logical3A_52 {offsets = [4], sizes = [1], strides = [1]} : vector<16xi32> to vector<1xi32>
      %squeeze3A_103 = vector.extract %slice3A_102[0] : i32 from vector<1xi32>
      %eq3A_104 = vector.broadcast %squeeze3A_103 : i32 to vector<16xi32>
      %eq3A_105 = arith.cmpi eq, %shift_right_logical3A_52, %eq3A_104 : vector<16xi32>
      %convert_element_type3A_106 = arith.extui %eq3A_105 : vector<16xi1> to vector<16xi32>
      %gt3A_107 = arith.constant 4 : i32
      %gt3A_108 = vector.broadcast %gt3A_107 : i32 to vector<16xi32>
      %gt3A_109 = arith.cmpi sgt, %iota3A, %gt3A_108 : vector<16xi32>
      %jit3A_110 = arith.constant 0 : i32
      %broadcast_in_dim3A_111 = vector.broadcast %jit3A_110 : i32 to vector<16xi32>
      %select_n3A_112 = arith.select %gt3A_109, %convert_element_type3A_106, %broadcast_in_dim3A_111 : vector<16xi1>, vector<16xi32>
      %add3A_113 = arith.addi %add3A_100, %select_n3A_112 : vector<16xi32>
      %add3A_114 = arith.addi %add3A_101, %convert_element_type3A_106 : vector<16xi32>
      %slice3A_115 = vector.extract_strided_slice %shift_right_logical3A_52 {offsets = [5], sizes = [1], strides = [1]} : vector<16xi32> to vector<1xi32>
      %squeeze3A_116 = vector.extract %slice3A_115[0] : i32 from vector<1xi32>
      %eq3A_117 = vector.broadcast %squeeze3A_116 : i32 to vector<16xi32>
      %eq3A_118 = arith.cmpi eq, %shift_right_logical3A_52, %eq3A_117 : vector<16xi32>
      %convert_element_type3A_119 = arith.extui %eq3A_118 : vector<16xi1> to vector<16xi32>
      %gt3A_120 = arith.constant 5 : i32
      %gt3A_121 = vector.broadcast %gt3A_120 : i32 to vector<16xi32>
      %gt3A_122 = arith.cmpi sgt, %iota3A, %gt3A_121 : vector<16xi32>
      %jit3A_123 = arith.constant 0 : i32
      %broadcast_in_dim3A_124 = vector.broadcast %jit3A_123 : i32 to vector<16xi32>
      %select_n3A_125 = arith.select %gt3A_122, %convert_element_type3A_119, %broadcast_in_dim3A_124 : vector<16xi1>, vector<16xi32>
      %add3A_126 = arith.addi %add3A_113, %select_n3A_125 : vector<16xi32>
      %add3A_127 = arith.addi %add3A_114, %convert_element_type3A_119 : vector<16xi32>
      %slice3A_128 = vector.extract_strided_slice %shift_right_logical3A_52 {offsets = [6], sizes = [1], strides = [1]} : vector<16xi32> to vector<1xi32>
      %squeeze3A_129 = vector.extract %slice3A_128[0] : i32 from vector<1xi32>
      %eq3A_130 = vector.broadcast %squeeze3A_129 : i32 to vector<16xi32>
      %eq3A_131 = arith.cmpi eq, %shift_right_logical3A_52, %eq3A_130 : vector<16xi32>
      %convert_element_type3A_132 = arith.extui %eq3A_131 : vector<16xi1> to vector<16xi32>
      %gt3A_133 = arith.constant 6 : i32
      %gt3A_134 = vector.broadcast %gt3A_133 : i32 to vector<16xi32>
      %gt3A_135 = arith.cmpi sgt, %iota3A, %gt3A_134 : vector<16xi32>
      %jit3A_136 = arith.constant 0 : i32
      %broadcast_in_dim3A_137 = vector.broadcast %jit3A_136 : i32 to vector<16xi32>
      %select_n3A_138 = arith.select %gt3A_135, %convert_element_type3A_132, %broadcast_in_dim3A_137 : vector<16xi1>, vector<16xi32>
      %add3A_139 = arith.addi %add3A_126, %select_n3A_138 : vector<16xi32>
      %add3A_140 = arith.addi %add3A_127, %convert_element_type3A_132 : vector<16xi32>
      %slice3A_141 = vector.extract_strided_slice %shift_right_logical3A_52 {offsets = [7], sizes = [1], strides = [1]} : vector<16xi32> to vector<1xi32>
      %squeeze3A_142 = vector.extract %slice3A_141[0] : i32 from vector<1xi32>
      %eq3A_143 = vector.broadcast %squeeze3A_142 : i32 to vector<16xi32>
      %eq3A_144 = arith.cmpi eq, %shift_right_logical3A_52, %eq3A_143 : vector<16xi32>
      %convert_element_type3A_145 = arith.extui %eq3A_144 : vector<16xi1> to vector<16xi32>
      %gt3A_146 = arith.constant 7 : i32
      %gt3A_147 = vector.broadcast %gt3A_146 : i32 to vector<16xi32>
      %gt3A_148 = arith.cmpi sgt, %iota3A, %gt3A_147 : vector<16xi32>
      %jit3A_149 = arith.constant 0 : i32
      %broadcast_in_dim3A_150 = vector.broadcast %jit3A_149 : i32 to vector<16xi32>
      %select_n3A_151 = arith.select %gt3A_148, %convert_element_type3A_145, %broadcast_in_dim3A_150 : vector<16xi1>, vector<16xi32>
      %add3A_152 = arith.addi %add3A_139, %select_n3A_151 : vector<16xi32>
      %add3A_153 = arith.addi %add3A_140, %convert_element_type3A_145 : vector<16xi32>
      %slice3A_154 = vector.extract_strided_slice %shift_right_logical3A_52 {offsets = [8], sizes = [1], strides = [1]} : vector<16xi32> to vector<1xi32>
      %squeeze3A_155 = vector.extract %slice3A_154[0] : i32 from vector<1xi32>
      %eq3A_156 = vector.broadcast %squeeze3A_155 : i32 to vector<16xi32>
      %eq3A_157 = arith.cmpi eq, %shift_right_logical3A_52, %eq3A_156 : vector<16xi32>
      %convert_element_type3A_158 = arith.extui %eq3A_157 : vector<16xi1> to vector<16xi32>
      %gt3A_159 = arith.constant 8 : i32
      %gt3A_160 = vector.broadcast %gt3A_159 : i32 to vector<16xi32>
      %gt3A_161 = arith.cmpi sgt, %iota3A, %gt3A_160 : vector<16xi32>
      %jit3A_162 = arith.constant 0 : i32
      %broadcast_in_dim3A_163 = vector.broadcast %jit3A_162 : i32 to vector<16xi32>
      %select_n3A_164 = arith.select %gt3A_161, %convert_element_type3A_158, %broadcast_in_dim3A_163 : vector<16xi1>, vector<16xi32>
      %add3A_165 = arith.addi %add3A_152, %select_n3A_164 : vector<16xi32>
      %add3A_166 = arith.addi %add3A_153, %convert_element_type3A_158 : vector<16xi32>
      %slice3A_167 = vector.extract_strided_slice %shift_right_logical3A_52 {offsets = [9], sizes = [1], strides = [1]} : vector<16xi32> to vector<1xi32>
      %squeeze3A_168 = vector.extract %slice3A_167[0] : i32 from vector<1xi32>
      %eq3A_169 = vector.broadcast %squeeze3A_168 : i32 to vector<16xi32>
      %eq3A_170 = arith.cmpi eq, %shift_right_logical3A_52, %eq3A_169 : vector<16xi32>
      %convert_element_type3A_171 = arith.extui %eq3A_170 : vector<16xi1> to vector<16xi32>
      %gt3A_172 = arith.constant 9 : i32
      %gt3A_173 = vector.broadcast %gt3A_172 : i32 to vector<16xi32>
      %gt3A_174 = arith.cmpi sgt, %iota3A, %gt3A_173 : vector<16xi32>
      %jit3A_175 = arith.constant 0 : i32
      %broadcast_in_dim3A_176 = vector.broadcast %jit3A_175 : i32 to vector<16xi32>
      %select_n3A_177 = arith.select %gt3A_174, %convert_element_type3A_171, %broadcast_in_dim3A_176 : vector<16xi1>, vector<16xi32>
      %add3A_178 = arith.addi %add3A_165, %select_n3A_177 : vector<16xi32>
      %add3A_179 = arith.addi %add3A_166, %convert_element_type3A_171 : vector<16xi32>
      %slice3A_180 = vector.extract_strided_slice %shift_right_logical3A_52 {offsets = [10], sizes = [1], strides = [1]} : vector<16xi32> to vector<1xi32>
      %squeeze3A_181 = vector.extract %slice3A_180[0] : i32 from vector<1xi32>
      %eq3A_182 = vector.broadcast %squeeze3A_181 : i32 to vector<16xi32>
      %eq3A_183 = arith.cmpi eq, %shift_right_logical3A_52, %eq3A_182 : vector<16xi32>
      %convert_element_type3A_184 = arith.extui %eq3A_183 : vector<16xi1> to vector<16xi32>
      %gt3A_185 = arith.constant 10 : i32
      %gt3A_186 = vector.broadcast %gt3A_185 : i32 to vector<16xi32>
      %gt3A_187 = arith.cmpi sgt, %iota3A, %gt3A_186 : vector<16xi32>
      %jit3A_188 = arith.constant 0 : i32
      %broadcast_in_dim3A_189 = vector.broadcast %jit3A_188 : i32 to vector<16xi32>
      %select_n3A_190 = arith.select %gt3A_187, %convert_element_type3A_184, %broadcast_in_dim3A_189 : vector<16xi1>, vector<16xi32>
      %add3A_191 = arith.addi %add3A_178, %select_n3A_190 : vector<16xi32>
      %add3A_192 = arith.addi %add3A_179, %convert_element_type3A_184 : vector<16xi32>
      %slice3A_193 = vector.extract_strided_slice %shift_right_logical3A_52 {offsets = [11], sizes = [1], strides = [1]} : vector<16xi32> to vector<1xi32>
      %squeeze3A_194 = vector.extract %slice3A_193[0] : i32 from vector<1xi32>
      %eq3A_195 = vector.broadcast %squeeze3A_194 : i32 to vector<16xi32>
      %eq3A_196 = arith.cmpi eq, %shift_right_logical3A_52, %eq3A_195 : vector<16xi32>
      %convert_element_type3A_197 = arith.extui %eq3A_196 : vector<16xi1> to vector<16xi32>
      %gt3A_198 = arith.constant 11 : i32
      %gt3A_199 = vector.broadcast %gt3A_198 : i32 to vector<16xi32>
      %gt3A_200 = arith.cmpi sgt, %iota3A, %gt3A_199 : vector<16xi32>
      %jit3A_201 = arith.constant 0 : i32
      %broadcast_in_dim3A_202 = vector.broadcast %jit3A_201 : i32 to vector<16xi32>
      %select_n3A_203 = arith.select %gt3A_200, %convert_element_type3A_197, %broadcast_in_dim3A_202 : vector<16xi1>, vector<16xi32>
      %add3A_204 = arith.addi %add3A_191, %select_n3A_203 : vector<16xi32>
      %add3A_205 = arith.addi %add3A_192, %convert_element_type3A_197 : vector<16xi32>
      %slice3A_206 = vector.extract_strided_slice %shift_right_logical3A_52 {offsets = [12], sizes = [1], strides = [1]} : vector<16xi32> to vector<1xi32>
      %squeeze3A_207 = vector.extract %slice3A_206[0] : i32 from vector<1xi32>
      %eq3A_208 = vector.broadcast %squeeze3A_207 : i32 to vector<16xi32>
      %eq3A_209 = arith.cmpi eq, %shift_right_logical3A_52, %eq3A_208 : vector<16xi32>
      %convert_element_type3A_210 = arith.extui %eq3A_209 : vector<16xi1> to vector<16xi32>
      %gt3A_211 = arith.constant 12 : i32
      %gt3A_212 = vector.broadcast %gt3A_211 : i32 to vector<16xi32>
      %gt3A_213 = arith.cmpi sgt, %iota3A, %gt3A_212 : vector<16xi32>
      %jit3A_214 = arith.constant 0 : i32
      %broadcast_in_dim3A_215 = vector.broadcast %jit3A_214 : i32 to vector<16xi32>
      %select_n3A_216 = arith.select %gt3A_213, %convert_element_type3A_210, %broadcast_in_dim3A_215 : vector<16xi1>, vector<16xi32>
      %add3A_217 = arith.addi %add3A_204, %select_n3A_216 : vector<16xi32>
      %add3A_218 = arith.addi %add3A_205, %convert_element_type3A_210 : vector<16xi32>
      %slice3A_219 = vector.extract_strided_slice %shift_right_logical3A_52 {offsets = [13], sizes = [1], strides = [1]} : vector<16xi32> to vector<1xi32>
      %squeeze3A_220 = vector.extract %slice3A_219[0] : i32 from vector<1xi32>
      %eq3A_221 = vector.broadcast %squeeze3A_220 : i32 to vector<16xi32>
      %eq3A_222 = arith.cmpi eq, %shift_right_logical3A_52, %eq3A_221 : vector<16xi32>
      %convert_element_type3A_223 = arith.extui %eq3A_222 : vector<16xi1> to vector<16xi32>
      %gt3A_224 = arith.constant 13 : i32
      %gt3A_225 = vector.broadcast %gt3A_224 : i32 to vector<16xi32>
      %gt3A_226 = arith.cmpi sgt, %iota3A, %gt3A_225 : vector<16xi32>
      %jit3A_227 = arith.constant 0 : i32
      %broadcast_in_dim3A_228 = vector.broadcast %jit3A_227 : i32 to vector<16xi32>
      %select_n3A_229 = arith.select %gt3A_226, %convert_element_type3A_223, %broadcast_in_dim3A_228 : vector<16xi1>, vector<16xi32>
      %add3A_230 = arith.addi %add3A_217, %select_n3A_229 : vector<16xi32>
      %add3A_231 = arith.addi %add3A_218, %convert_element_type3A_223 : vector<16xi32>
      %slice3A_232 = vector.extract_strided_slice %shift_right_logical3A_52 {offsets = [14], sizes = [1], strides = [1]} : vector<16xi32> to vector<1xi32>
      %squeeze3A_233 = vector.extract %slice3A_232[0] : i32 from vector<1xi32>
      %eq3A_234 = vector.broadcast %squeeze3A_233 : i32 to vector<16xi32>
      %eq3A_235 = arith.cmpi eq, %shift_right_logical3A_52, %eq3A_234 : vector<16xi32>
      %convert_element_type3A_236 = arith.extui %eq3A_235 : vector<16xi1> to vector<16xi32>
      %gt3A_237 = arith.constant 14 : i32
      %gt3A_238 = vector.broadcast %gt3A_237 : i32 to vector<16xi32>
      %gt3A_239 = arith.cmpi sgt, %iota3A, %gt3A_238 : vector<16xi32>
      %jit3A_240 = arith.constant 0 : i32
      %broadcast_in_dim3A_241 = vector.broadcast %jit3A_240 : i32 to vector<16xi32>
      %select_n3A_242 = arith.select %gt3A_239, %convert_element_type3A_236, %broadcast_in_dim3A_241 : vector<16xi1>, vector<16xi32>
      %add3A_243 = arith.addi %add3A_230, %select_n3A_242 : vector<16xi32>
      %add3A_244 = arith.addi %add3A_231, %convert_element_type3A_236 : vector<16xi32>
      %slice3A_245 = vector.extract_strided_slice %shift_right_logical3A_52 {offsets = [15], sizes = [1], strides = [1]} : vector<16xi32> to vector<1xi32>
      %squeeze3A_246 = vector.extract %slice3A_245[0] : i32 from vector<1xi32>
      %eq3A_247 = vector.broadcast %squeeze3A_246 : i32 to vector<16xi32>
      %eq3A_248 = arith.cmpi eq, %shift_right_logical3A_52, %eq3A_247 : vector<16xi32>
      %convert_element_type3A_249 = arith.extui %eq3A_248 : vector<16xi1> to vector<16xi32>
      %gt3A_250 = arith.constant 15 : i32
      %gt3A_251 = vector.broadcast %gt3A_250 : i32 to vector<16xi32>
      %gt3A_252 = arith.cmpi sgt, %iota3A, %gt3A_251 : vector<16xi32>
      %jit3A_253 = arith.constant 0 : i32
      %broadcast_in_dim3A_254 = vector.broadcast %jit3A_253 : i32 to vector<16xi32>
      %select_n3A_255 = arith.select %gt3A_252, %convert_element_type3A_249, %broadcast_in_dim3A_254 : vector<16xi1>, vector<16xi32>
      %add3A_256 = arith.addi %add3A_243, %select_n3A_255 : vector<16xi32>
      %add3A_257 = arith.addi %add3A_244, %convert_element_type3A_249 : vector<16xi32>
      %gather3A = tpu.vector_load_idx %arg12[%shift_right_logical3A_52] : memref<16xi32, #tpu.memory_space<vmem>>[vector<16xi32>], vector<16xi32>,
      %add3A_258 = arith.addi %gather3A, %add3A_256 : vector<16xi32>
      %shift_right_logical3A_259 = arith.constant 6 : i32
      %shift_right_logical3A_260 = vector.broadcast %shift_right_logical3A_259 : i32 to vector<16xi32>
      %shift_right_logical3A_261 = arith.shrui %add3A_258, %shift_right_logical3A_260 : vector<16xi32>
      %and3A = arith.constant 63 : i32
      %and3A_262 = vector.broadcast %and3A : i32 to vector<16xi32>
      %and3A_263 = arith.andi %add3A_258, %and3A_262 : vector<16xi32>
      %add3A_264 = arith.addi %mul3A_2, %mul3A_48 : i32
      %add3A_265 = vector.broadcast %add3A_264 : i32 to vector<16xi32>
      %add3A_266 = arith.addi %add3A_265, %iota3A : vector<16xi32>
      tpu.vector_store_idx %arg7[%shift_right_logical3A_52, %shift_right_logical3A_261, %and3A_263], %add3A_266 : memref<8x8x64xi32, #tpu.memory_space<vmem>>[vector<16xi32>, vector<16xi32>, vector<16xi32>], vector<16xi32>,
      %multiple_of3A_267 = tpu.assume_multiple %mul3A_48, 16 : i32
      %swap3A_268 = arith.index_cast %multiple_of3A_267 : i32 to index
      %swap3A_269 = tpu.vector_load %arg11[%swap3A_268] {strides = array<i32>} : memref<512xi32, #tpu.memory_space<vmem>>, vector<16xi32>,
      tpu.vector_store %arg11[%swap3A_268], %add3A_258 {strides = array<i32>} : memref<512xi32, #tpu.memory_space<vmem>>, vector<16xi32>,
      %add3A_270 = arith.constant 1 : i32
      %add3A_271 = vector.broadcast %add3A_270 : i32 to vector<16xi32>
      %add3A_272 = arith.addi %add3A_256, %add3A_271 : vector<16xi32>
      %eq3A_273 = arith.cmpi eq, %add3A_272, %add3A_257 : vector<16xi32>
      tpu.vector_store_idx %arg12[%shift_right_logical3A_52], %add3A_257 masked %eq3A_273 {add = true} : memref<16xi32, #tpu.memory_space<vmem>>[vector<16xi32>], vector<16xi32>, vector<16xi1>
    }
    %scan3A_32 = arith.constant 32 : i32
    %get3A = arith.constant 0 : index
    %get3A_33 = tpu.vector_load %arg12[%get3A] {strides = array<i32>} : memref<16xi32, #tpu.memory_space<vmem>>, vector<16xi32>,
    %reduce_max3A = arith.constant true
    %reduce_max3A_34 = vector.broadcast %reduce_max3A : i1 to vector<16xi1>
    %reduce_max3A_35 = arith.constant -2147483648 : i32
    %reduce_max3A_36 = vector.broadcast %reduce_max3A_35 : i32 to vector<16xi32>
    %reduce_max3A_37 = arith.xori %get3A_33, %reduce_max3A_36 : vector<16xi32>
    %reduce_max3A_38 = tpu.scan <max>, %reduce_max3A_37 masked %reduce_max3A_34 : vector<16xi32>, vector<16xi1> -> vector<16xi32>
    %reduce_max3A_39 = arith.xori %reduce_max3A_38, %reduce_max3A_36 : vector<16xi32>
    %reduce_max3A_40 = vector.extract %reduce_max3A_39[15] : i32 from vector<16xi32>
    %broadcast_in_dim3A_41 = arith.constant 0.000000e+00 : f32
    %broadcast_in_dim3A_42 = vector.broadcast %broadcast_in_dim3A_41 : f32 to vector<16xf32>
    %while3A = arith.constant 0 : i32
    %while3A_43:2 = scf.while (%while3A_46 = %while3A, %while3A_47 = %broadcast_in_dim3A_42) : (i32, vector<16xf32>) -> (i32, vector<16xf32>) {
      %mul3A_48 = arith.constant 64 : i32
      %mul3A_49 = arith.muli %while3A_46, %mul3A_48 : i32
      %lt3A = arith.cmpi slt, %mul3A_49, %reduce_max3A_40 : i32
      scf.condition(%lt3A) %while3A_46, %while3A_47 : i32, vector<16xf32>
    } do {
    ^bb0(%while3A_46: i32, %while3A_47: vector<16xf32>):
      %scan3A_48 = arith.constant 0 : i32
      %scan3A_49 = arith.constant 0 : i32
      %scan3A_50 = arith.constant 7 : i32
      %scan3A_51 = arith.addi %scan3A_49, %scan3A_50 : i32
      %scan3A_52 = arith.constant 1 : i32
      scf.for %scan3A_90 = %scan3A_49 to %scan3A_51 step %scan3A_52  : i32 {
        %mul3A_91 = arith.constant 128 : i32
        %mul3A_92 = arith.muli %scan3A_90, %mul3A_91 : i32
        %multiple_of3A = tpu.assume_multiple %mul3A_92, 128 : i32
        %dma_start3A_93 = arith.constant 0 : i32
        %dma_start3A_94 = arith.constant 0 : i32
        %dma_start3A_95 = tpu.memref_slice %arg8[%scan3A_90, %dma_start3A_93, %dma_start3A_94] : memref<8x64x128xf32, #tpu.memory_space<vmem>> -> memref<1x64x128xf32, #tpu.memory_space<vmem>>
        %dma_start3A_96 = tpu.memref_squeeze %dma_start3A_95 : memref<1x64x128xf32, #tpu.memory_space<vmem>> -> memref<64x128xf32, #tpu.memory_space<vmem>>
        %dma_start3A_97 = arith.constant 0 : i32
        %dma_start3A_98 = tpu.memref_slice %arg7[%scan3A_90, %while3A_46, %dma_start3A_97] : memref<8x8x64xi32, #tpu.memory_space<vmem>> -> memref<1x1x64xi32, #tpu.memory_space<vmem>>
        %dma_start3A_99 = tpu.memref_squeeze %dma_start3A_98 : memref<1x1x64xi32, #tpu.memory_space<vmem>> -> memref<64xi32, #tpu.memory_space<vmem>>
        %dma_start3A_100 = arith.constant 0 : i32
        %dma_start3A_101 = tpu.memref_slice %arg2[%dma_start3A_100, %multiple_of3A] : memref<16384x1000xf32, #tpu.memory_space<hbm>> -> memref<16384x128xf32, #tpu.memory_space<hbm>>
        tpu.enqueue_indirect_dma source(%dma_start3A_101 : memref<16384x128xf32, #tpu.memory_space<hbm>>) target(%dma_start3A_96 : memref<64x128xf32, #tpu.memory_space<vmem>>) offsets(%dma_start3A_99 : memref<64xi32, #tpu.memory_space<vmem>>) semaphore(%arg14 : memref<!tpu.dma_semaphore, #tpu.memory_space<semaphore_mem>>)
      }
      %scan3A_53 = arith.constant 7 : i32
      %dma_start3A = arith.constant 7 : i32
      %dma_start3A_54 = arith.constant 7 : i32
      %dma_start3A_55 = arith.constant 0 : i32
      %dma_start3A_56 = arith.constant 0 : i32
      %dma_start3A_57 = tpu.memref_slice %arg8[%dma_start3A_54, %dma_start3A_55, %dma_start3A_56] : memref<8x64x128xf32, #tpu.memory_space<vmem>> -> memref<1x64x128xf32, #tpu.memory_space<vmem>>
      %dma_start3A_58 = tpu.memref_squeeze %dma_start3A_57 : memref<1x64x128xf32, #tpu.memory_space<vmem>> -> memref<64x128xf32, #tpu.memory_space<vmem>>
      %dma_start3A_59 = arith.constant 0 : i32
      %dma_start3A_60 = tpu.memref_slice %arg7[%dma_start3A, %while3A_46, %dma_start3A_59] : memref<8x8x64xi32, #tpu.memory_space<vmem>> -> memref<1x1x64xi32, #tpu.memory_space<vmem>>
      %dma_start3A_61 = tpu.memref_squeeze %dma_start3A_60 : memref<1x1x64xi32, #tpu.memory_space<vmem>> -> memref<64xi32, #tpu.memory_space<vmem>>
      %dma_start3A_62 = arith.constant 0 : i32
      %dma_start3A_63 = arith.constant 0 : i32
      %dma_start3A_64 = tpu.memref_slice %arg3[%dma_start3A_62, %dma_start3A_63] : memref<16384x128xf32, #tpu.memory_space<hbm>> -> memref<16384x128xf32, #tpu.memory_space<hbm>>
      tpu.enqueue_indirect_dma source(%dma_start3A_64 : memref<16384x128xf32, #tpu.memory_space<hbm>>) target(%dma_start3A_58 : memref<64x128xf32, #tpu.memory_space<vmem>>) offsets(%dma_start3A_61 : memref<64xi32, #tpu.memory_space<vmem>>) semaphore(%arg14 : memref<!tpu.dma_semaphore, #tpu.memory_space<semaphore_mem>>)
      %scan3A_65 = arith.constant 0 : i32
      %scan3A_66 = arith.constant 0 : i32
      %scan3A_67 = arith.constant 7 : i32
      %scan3A_68 = arith.addi %scan3A_66, %scan3A_67 : i32
      %scan3A_69 = arith.constant 1 : i32
      scf.for %scan3A_90 = %scan3A_66 to %scan3A_68 step %scan3A_69  : i32 {
        %mul3A_91 = arith.constant 128 : i32
        %mul3A_92 = arith.muli %scan3A_90, %mul3A_91 : i32
        %multiple_of3A = tpu.assume_multiple %mul3A_92, 128 : i32
        %dma_wait3A_93 = arith.constant 0 : i32
        %dma_wait3A_94 = arith.constant 0 : i32
        %dma_wait3A_95 = tpu.memref_slice %arg8[%scan3A_90, %dma_wait3A_93, %dma_wait3A_94] : memref<8x64x128xf32, #tpu.memory_space<vmem>> -> memref<1x64x128xf32, #tpu.memory_space<vmem>>
        %dma_wait3A_96 = tpu.memref_squeeze %dma_wait3A_95 : memref<1x64x128xf32, #tpu.memory_space<vmem>> -> memref<64x128xf32, #tpu.memory_space<vmem>>
        %dma_wait3A_97 = arith.constant 0 : i32
        %dma_wait3A_98 = tpu.memref_slice %arg7[%scan3A_90, %while3A_46, %dma_wait3A_97] : memref<8x8x64xi32, #tpu.memory_space<vmem>> -> memref<1x1x64xi32, #tpu.memory_space<vmem>>
        %dma_wait3A_99 = tpu.memref_squeeze %dma_wait3A_98 : memref<1x1x64xi32, #tpu.memory_space<vmem>> -> memref<64xi32, #tpu.memory_space<vmem>>
        %dma_wait3A_100 = arith.constant 0 : i32
        %dma_wait3A_101 = tpu.memref_slice %arg2[%dma_wait3A_100, %multiple_of3A] : memref<16384x1000xf32, #tpu.memory_space<hbm>> -> memref<16384x128xf32, #tpu.memory_space<hbm>>
        tpu.wait_indirect_dma semaphore(%arg14 : memref<!tpu.dma_semaphore, #tpu.memory_space<semaphore_mem>>) src(%dma_wait3A_101 : memref<16384x128xf32, #tpu.memory_space<hbm>>) dst(%dma_wait3A_96 : memref<64x128xf32, #tpu.memory_space<vmem>>)
      }
      %scan3A_70 = arith.constant 7 : i32
      %dma_wait3A = arith.constant 7 : i32
      %dma_wait3A_71 = arith.constant 7 : i32
      %dma_wait3A_72 = arith.constant 0 : i32
      %dma_wait3A_73 = arith.constant 0 : i32
      %dma_wait3A_74 = tpu.memref_slice %arg8[%dma_wait3A_71, %dma_wait3A_72, %dma_wait3A_73] : memref<8x64x128xf32, #tpu.memory_space<vmem>> -> memref<1x64x128xf32, #tpu.memory_space<vmem>>
      %dma_wait3A_75 = tpu.memref_squeeze %dma_wait3A_74 : memref<1x64x128xf32, #tpu.memory_space<vmem>> -> memref<64x128xf32, #tpu.memory_space<vmem>>
      %dma_wait3A_76 = arith.constant 0 : i32
      %dma_wait3A_77 = tpu.memref_slice %arg7[%dma_wait3A, %while3A_46, %dma_wait3A_76] : memref<8x8x64xi32, #tpu.memory_space<vmem>> -> memref<1x1x64xi32, #tpu.memory_space<vmem>>
      %dma_wait3A_78 = tpu.memref_squeeze %dma_wait3A_77 : memref<1x1x64xi32, #tpu.memory_space<vmem>> -> memref<64xi32, #tpu.memory_space<vmem>>
      %dma_wait3A_79 = arith.constant 0 : i32
      %dma_wait3A_80 = arith.constant 0 : i32
      %dma_wait3A_81 = tpu.memref_slice %arg3[%dma_wait3A_79, %dma_wait3A_80] : memref<16384x128xf32, #tpu.memory_space<hbm>> -> memref<16384x128xf32, #tpu.memory_space<hbm>>
      tpu.wait_indirect_dma semaphore(%arg14 : memref<!tpu.dma_semaphore, #tpu.memory_space<semaphore_mem>>) src(%dma_wait3A_81 : memref<16384x128xf32, #tpu.memory_space<hbm>>) dst(%dma_wait3A_75 : memref<64x128xf32, #tpu.memory_space<vmem>>)
      %scan3A_82 = arith.constant 0 : i32
      %scan3A_83 = arith.constant 32 : i32
      %scan3A_84 = arith.addi %scan3A_82, %scan3A_83 : i32
      %scan3A_85 = arith.constant 1 : i32
      %scan3A_86 = scf.for %scan3A_90 = %scan3A_82 to %scan3A_84 step %scan3A_85 iter_args(%scan3A_91 = %while3A_47) -> (vector<16xf32>)  : i32 {
        %mul3A_92 = arith.constant 16 : i32
        %mul3A_93 = arith.muli %scan3A_90, %mul3A_92 : i32
        %multiple_of3A = tpu.assume_multiple %mul3A_93, 16 : i32
        %get3A_94 = arith.index_cast %multiple_of3A : i32 to index
        %get3A_95 = tpu.vector_load %arg9[%get3A_94] {strides = array<i32>} : memref<512xi32, #tpu.memory_space<vmem>>, vector<16xi32>,
        %multiple_of3A_96 = tpu.assume_multiple %mul3A_93, 16 : i32
        %get3A_97 = arith.index_cast %multiple_of3A_96 : i32 to index
        %get3A_98 = tpu.vector_load %arg10[%get3A_97] {strides = array<i32>} : memref<512xf32, #tpu.memory_space<vmem>>, vector<16xf32>,
        %multiple_of3A_99 = tpu.assume_multiple %mul3A_93, 16 : i32
        %get3A_100 = arith.index_cast %multiple_of3A_99 : i32 to index
        %get3A_101 = tpu.vector_load %arg11[%get3A_100] {strides = array<i32>} : memref<512xi32, #tpu.memory_space<vmem>>, vector<16xi32>,
        %shift_right_logical3A = arith.constant 7 : i32
        %shift_right_logical3A_102 = vector.broadcast %shift_right_logical3A : i32 to vector<16xi32>
        %shift_right_logical3A_103 = arith.shrui %get3A_95, %shift_right_logical3A_102 : vector<16xi32>
        %ge3A = arith.constant 896 : i32
        %ge3A_104 = vector.broadcast %ge3A : i32 to vector<16xi32>
        %ge3A_105 = arith.cmpi sge, %get3A_95, %ge3A_104 : vector<16xi32>
        %sub3A = arith.constant 896 : i32
        %sub3A_106 = vector.broadcast %sub3A : i32 to vector<16xi32>
        %sub3A_107 = arith.subi %get3A_95, %sub3A_106 : vector<16xi32>
        %and3A = arith.constant 127 : i32
        %and3A_108 = vector.broadcast %and3A : i32 to vector<16xi32>
        %and3A_109 = arith.andi %get3A_95, %and3A_108 : vector<16xi32>
        %select_n3A = arith.select %ge3A_105, %sub3A_107, %and3A_109 : vector<16xi1>, vector<16xi32>
        %mul3A_110 = arith.constant 64 : i32
        %mul3A_111 = arith.muli %while3A_46, %mul3A_110 : i32
        %sub3A_112 = vector.broadcast %mul3A_111 : i32 to vector<16xi32>
        %sub3A_113 = arith.subi %get3A_101, %sub3A_112 : vector<16xi32>
        %ge3A_114 = arith.constant 0 : i32
        %ge3A_115 = vector.broadcast %ge3A_114 : i32 to vector<16xi32>
        %ge3A_116 = arith.cmpi sge, %sub3A_113, %ge3A_115 : vector<16xi32>
        %lt3A = arith.constant 64 : i32
        %lt3A_117 = vector.broadcast %lt3A : i32 to vector<16xi32>
        %lt3A_118 = arith.cmpi slt, %sub3A_113, %lt3A_117 : vector<16xi32>
        %and3A_119 = arith.andi %ge3A_116, %lt3A_118 : vector<16xi1>
        %jit3A = arith.constant 0 : i32
        %jit3A_120 = arith.constant 63 : i32
        %max3A = vector.broadcast %jit3A : i32 to vector<16xi32>
        %max3A_121 = arith.maxsi %max3A, %sub3A_113 : vector<16xi32>
        %min3A = vector.broadcast %jit3A_120 : i32 to vector<16xi32>
        %min3A_122 = arith.minsi %min3A, %max3A_121 : vector<16xi32>
        %gather3A = tpu.vector_load_idx %arg8[%shift_right_logical3A_103, %min3A_122, %select_n3A] masked %and3A_119 : memref<8x64x128xf32, #tpu.memory_space<vmem>>[vector<16xi32>, vector<16xi32>, vector<16xi32>], vector<16xf32>, vector<16xi1>
        %gt3A = arith.constant 0.000000e+00 : f32
        %gt3A_123 = vector.broadcast %gt3A : f32 to vector<16xf32>
        %gt3A_124 = arith.cmpf ogt, %get3A_98, %gt3A_123 : vector<16xf32>
        %and3A_125 = arith.andi %and3A_119, %gt3A_124 : vector<16xi1>
        %lt3A_126 = arith.constant 0.000000e+00 : f32
        %lt3A_127 = vector.broadcast %lt3A_126 : f32 to vector<16xf32>
        %lt3A_128 = arith.cmpf olt, %get3A_98, %lt3A_127 : vector<16xf32>
        %and3A_129 = arith.andi %and3A_119, %lt3A_128 : vector<16xi1>
        %mul3A_130 = arith.constant -5.000000e-01 : f32
        %mul3A_131 = vector.broadcast %mul3A_130 : f32 to vector<16xf32>
        %mul3A_132 = arith.mulf %mul3A_131, %get3A_98 : vector<16xf32>
        %mul3A_133 = arith.mulf %mul3A_132, %get3A_98 : vector<16xf32>
        %exp3A = math.exp %mul3A_133 : vector<16xf32>
        %mul3A_134 = arith.constant 1.000000e+00 : f32
        %mul3A_135 = vector.broadcast %mul3A_134 : f32 to vector<16xf32>
        %mul3A_136 = arith.mulf %mul3A_135, %exp3A : vector<16xf32>
        %mul3A_137 = arith.constant -5.000000e-01 : f32
        %mul3A_138 = vector.broadcast %mul3A_137 : f32 to vector<16xf32>
        %mul3A_139 = arith.mulf %mul3A_138, %get3A_98 : vector<16xf32>
        %mul3A_140 = arith.mulf %mul3A_139, %get3A_98 : vector<16xf32>
        %exp3A_141 = math.exp %mul3A_140 : vector<16xf32>
        %mul3A_142 = arith.constant 1.000000e+00 : f32
        %mul3A_143 = vector.broadcast %mul3A_142 : f32 to vector<16xf32>
        %mul3A_144 = arith.mulf %mul3A_143, %exp3A_141 : vector<16xf32>
        %mul3A_145 = arith.mulf %mul3A_136, %gather3A : vector<16xf32>
        %jit3A_146 = arith.constant 0.000000e+00 : f32
        %broadcast_in_dim3A_147 = vector.broadcast %jit3A_146 : f32 to vector<16xf32>
        %select_n3A_148 = arith.select %and3A_125, %mul3A_145, %broadcast_in_dim3A_147 : vector<16xi1>, vector<16xf32>
        %add3A_149 = arith.addf %scan3A_91, %select_n3A_148 : vector<16xf32>
        %mul3A_150 = arith.mulf %mul3A_144, %gather3A : vector<16xf32>
        %jit3A_151 = arith.constant 0.000000e+00 : f32
        %broadcast_in_dim3A_152 = vector.broadcast %jit3A_151 : f32 to vector<16xf32>
        %select_n3A_153 = arith.select %and3A_129, %mul3A_150, %broadcast_in_dim3A_152 : vector<16xi1>, vector<16xf32>
        %add3A_154 = arith.addf %add3A_149, %select_n3A_153 : vector<16xf32>
        scf.yield %add3A_154 : vector<16xf32>
      }
      %scan3A_87 = arith.constant 32 : i32
      %add3A_88 = arith.constant 1 : i32
      %add3A_89 = arith.addi %while3A_46, %add3A_88 : i32
      scf.yield %add3A_89, %scan3A_86 : i32, vector<16xf32>
    }
    %swap3A_44 = arith.constant 0 : index
    %swap3A_45 = tpu.vector_load %arg13[%swap3A_44] {strides = array<i32>} : memref<16xf32, #tpu.memory_space<vmem>>, vector<16xf32>,
    tpu.vector_store %arg13[%swap3A_44], %while3A_43#1 {strides = array<i32>} : memref<16xf32, #tpu.memory_space<vmem>>, vector<16xf32>,
    "tpu.region"() ({
      %run_scoped3A = tpu.sem_alloc : memref<!tpu.dma_semaphore, #tpu.memory_space<semaphore_mem>>
      %dma_start3A = arith.constant 0 : i32
      %dma_start3A_46 = tpu.memref_slice %arg6[%add3A, %dma_start3A] : memref<32x16xf32, #tpu.memory_space<hbm>> -> memref<1x16xf32, #tpu.memory_space<hbm>>
      %dma_start3A_47 = tpu.memref_squeeze %dma_start3A_46 : memref<1x16xf32, #tpu.memory_space<hbm>> -> memref<16xf32, #tpu.memory_space<hbm>>
      %dma_start3A_48 = arith.constant 0 : i32
      %dma_start3A_49 = tpu.memref_slice %arg6[%add3A, %dma_start3A_48] : memref<32x16xf32, #tpu.memory_space<hbm>> -> memref<1x16xf32, #tpu.memory_space<hbm>>
      %dma_start3A_50 = tpu.memref_squeeze %dma_start3A_49 : memref<1x16xf32, #tpu.memory_space<hbm>> -> memref<16xf32, #tpu.memory_space<hbm>>
      tpu.enqueue_dma source(%arg13 : memref<16xf32, #tpu.memory_space<vmem>>) target(%dma_start3A_50 : memref<16xf32, #tpu.memory_space<hbm>>) target_semaphore(%run_scoped3A : memref<!tpu.dma_semaphore, #tpu.memory_space<semaphore_mem>>)
      %dma_wait3A = arith.constant 0 : i32
      %dma_wait3A_51 = tpu.memref_slice %arg6[%add3A, %dma_wait3A] : memref<32x16xf32, #tpu.memory_space<hbm>> -> memref<1x16xf32, #tpu.memory_space<hbm>>
      %dma_wait3A_52 = tpu.memref_squeeze %dma_wait3A_51 : memref<1x16xf32, #tpu.memory_space<hbm>> -> memref<16xf32, #tpu.memory_space<hbm>>
      %dma_wait3A_53 = arith.constant 0 : i32
      %dma_wait3A_54 = tpu.memref_slice %arg6[%add3A, %dma_wait3A_53] : memref<32x16xf32, #tpu.memory_space<hbm>> -> memref<1x16xf32, #tpu.memory_space<hbm>>
      %dma_wait3A_55 = tpu.memref_squeeze %dma_wait3A_54 : memref<1x16xf32, #tpu.memory_space<hbm>> -> memref<16xf32, #tpu.memory_space<hbm>>
      tpu.wait_dma2 semaphore(%run_scoped3A : memref<!tpu.dma_semaphore, #tpu.memory_space<semaphore_mem>>) src(%arg13 : memref<16xf32, #tpu.memory_space<vmem>>) dst(%dma_wait3A_55 : memref<16xf32, #tpu.memory_space<hbm>>)
      tpu.yield
    }) : () -> ()
    return
  }
}

</mosaic_0001>

<sc_bundles>
// kernel: kernel.3.cloned.1.call-start
scs
__scs_entry_jumppad:
0x0: {  	(pc) =	sbr.rel $0x88, $3  }
0x1: {  	(tag) =	ssettag $0x0;
	lr =	simm.s32 $0x1  }
0x2: {  	[smem:$0x3F9E] =	sst lr;
	_ =	strace $0xD0000000  }
0x3: {  	_ = 	snop  }
0x4: {  	_ = 	snop  }
0x5: {  	_ = 	snop  }
0x6: {  	_ = 	snop  }
0x7: {  	_ = 	snop  }
__scs_overlays_trampoline_lowered:
0x8: {  	[smem:$0x3FAD] =	sst s0  }
0x9: {  	[smem:$0x3FAE] =	sst s1  }
0xa: {  	[smem:$0x3FAF] =	sst s2  }
0xb: {  	[smem:$0x3FB0] =	sst s3  }
0xc: {  	[smem:$0x3FB1] =	sst s4  }
0xd: {  	[smem:$0x3FB2] =	sst s5  }
0xe: {  	[smem:$0x3FB3] =	sst s6  }
0xf: {  	[smem:$0x3FB4] =	sst s7  }
0x10: {  	[smem:$0x3FB5] =	sst s8  }
0x11: {  	[smem:$0x3FB6] =	sst s9;
	s0 =	simm.s32 @!p0 $0x0  }
0x12: {  	s1 =	sld [smem:$0x3F9C];
	s0 =	simm.s32 @p0 $0x1  }
0x13: {  	[smem:$0x3FB7] =	sst s0;
	s0 =	simm.s32 @!p1 $0x0  }
0x14: {  	s2 =	sld [smem:$0x3F9B];
	s0 =	simm.s32 @p1 $0x1  }
0x15: {  	[smem:$0x3FB8] =	sst s0;
	s0 =	simm.s32 @!p2 $0x0  }
0x16: {  	s3 =	sld [smem:$0x3FDB];
	s0 =	simm.s32 @p2 $0x1  }
0x17: {  	s4 =	simm.s32 $0x1BF5;
	[smem:$0x3FBA] =	sst s0  }
0x18: {  	s0 =	sld [smem:$0x3F9D];
	_ =	swait.ge [sflag:s4], $0x0  }
0x19: {  	s7 =	sld [smem:$0x3F9E]  }
0x1a: {  	s8 =	sadd.s32 $0xFFFFE003, lr  }
0x1b: {  	s9 =	sadd.s32 $0xFFFFFEF7, lr;
	s5 =	simm.s32 $0xFFFFFFFF;
	p2 =	slt.u32 s8, $0xFFFFF086  }
0x1c: {  	p1 =	slt.u32 s9, $0xF7A;
	s5 =	simm.s32 @!p2 $0x0  }
0x1d: {  	s5 =	simm.s32 @p1 $0x1;
	p0 =	seq.s32 s7, s2  }
0x1e: {  	s7 =	smul.u32 @!p0 $0xF7A, s2;
	p2 =	seq.s32 @!p0 s5, $0x0  }
0x1f: {  	s9 =	smul.u32 $0xF7A, s1;
	s8 =	simm.s32 @!p0 $0x1BF5;
	p2 =	por !p2, p0  }
0x20: {  	[sflag:s8] =	ssyncset.s32 @!p0 $0xFFFFF086;
	s6 =	sadd.s32 @!p0 s3, s7;
	s7 =	simm.s32 @!p0 $0x108  }
0x21: {  	s3 =	sadd.s32 s3, s9;
	s6 =	sadd.s32 @!p0 $0x88, s6;
	s7 =	simm.s32 @p2 $0x1082  }
0x22: {  	[simem:s7], [sflag:s8] =	dma.local @!p0 [hbm:s6], $0xF7A  }
0x23: {  	s9 =	sor.u32 $0xD0000000, s2;
	s6 =	simm.s32 $0x108;
	_ =	swait.ge @!p0 [sflag:s8], $0x0  }
0x24: {  	s3 =	sadd.s32 $0x88, s3;
	s6 =	simm.s32 @!p1 $0x1082;
	[sflag:s4] =	ssyncset.s32 $0xFFFFF086  }
0x25: {  	[simem:s6], [sflag:s4] =	dma.local [hbm:s3], $0xF7A  }
0x26: {  	[smem:$0x3F9E] =	sst s1;
	(tag) =	ssettag s2;
	_ =	strace s9  }
0x27: {  	s1 =	sld [smem:$0x3FAE]  }
0x28: {  	s2 =	sld [smem:$0x3FAF]  }
0x29: {  	s4 =	sld [smem:$0x3FB1]  }
0x2a: {  	p0 =	seq.s32 s5, $0x0;
	s5 =	sld [smem:$0x3FB2]  }
0x2b: {  	s6 =	sld [smem:$0x3FB3]  }
0x2c: {  	s7 =	sld [smem:$0x3FB4]  }
0x2d: {  	s3 =	simm.s32 $0x108;
	s8 =	sld [smem:$0x3FB5]  }
0x2e: {  	s3 =	simm.s32 @!p0 $0x1082;
	s9 =	sld [smem:$0x3FB6]  }
0x2f: {  	lr =	sadd.s32 s0, s3;
	s0 =	sld [smem:$0x3FAD]  }
0x30: {  	s3 =	sld [smem:$0x3FB0]  }
0x31: {  	[smem:$0x3FB9] =	sst s10  }
0x32: {  	s10 =	sld [smem:$0x3FB7];
	_ =	sdelay $0x3  }
0x33: {  	p0 =	seq.s32 s10, $0x1;
	s10 =	sld [smem:$0x3FB9];
	_ =	sdelay $0x3  }
0x34: {  	[smem:$0x3FB9] =	sst s10  }
0x35: {  	s10 =	sld [smem:$0x3FB8];
	_ =	sdelay $0x3  }
0x36: {  	p1 =	seq.s32 s10, $0x1;
	s10 =	sld [smem:$0x3FB9];
	_ =	sdelay $0x3  }
0x37: {  	[smem:$0x3FB9] =	sst s10  }
0x38: {  	s10 =	sld [smem:$0x3FBA]  }
0x39: {  	_ = 	snop;
	(pc) =	sbr.ind lr, $3  }
0x3a: {  	_ = 	snop  }
0x3b: {  	_ = 	snop  }
0x3c: {  	p2 =	seq.s32 s10, $0x1;
	s10 =	sld [smem:$0x3FB9]  }
0x3d: {  	_ =	shalt  }
0x3e: {  	_ =	shalt  }
0x3f: {  	_ =	shalt  }
0x40: {  	_ =	shalt  }
0x41: {  	_ =	shalt  }
0x42: {  	_ =	shalt  }
0x43: {  	_ =	shalt  }
0x44: {  	_ =	shalt  }
0x45: {  	_ =	shalt  }
0x46: {  	_ =	shalt  }
0x47: {  	_ =	shalt  }
0x48: {  	_ =	shalt  }
0x49: {  	_ =	shalt  }
0x4a: {  	_ =	shalt  }
0x4b: {  	_ =	shalt  }
0x4c: {  	_ =	shalt  }
0x4d: {  	_ =	shalt  }
0x4e: {  	_ =	shalt  }
0x4f: {  	_ =	shalt  }
0x50: {  	_ =	shalt  }
0x51: {  	_ =	shalt  }
0x52: {  	_ =	shalt  }
0x53: {  	_ =	shalt  }
0x54: {  	_ =	shalt  }
0x55: {  	_ =	shalt  }
0x56: {  	_ =	shalt  }
0x57: {  	_ =	shalt  }
0x58: {  	_ =	shalt  }
0x59: {  	_ =	shalt  }
0x5a: {  	_ =	shalt  }
0x5b: {  	_ =	shalt  }
0x5c: {  	_ =	shalt  }
0x5d: {  	_ =	shalt  }
0x5e: {  	_ =	shalt  }
0x5f: {  	_ =	shalt  }
0x60: {  	_ =	shalt  }
0x61: {  	_ =	shalt  }
0x62: {  	_ =	shalt  }
0x63: {  	_ =	shalt  }
0x64: {  	_ =	shalt  }
0x65: {  	_ =	shalt  }
0x66: {  	_ =	shalt  }
0x67: {  	_ =	shalt  }
0x68: {  	_ =	shalt  }
0x69: {  	_ =	shalt  }
0x6a: {  	_ =	shalt  }
0x6b: {  	_ =	shalt  }
0x6c: {  	_ =	shalt  }
0x6d: {  	_ =	shalt  }
0x6e: {  	_ =	shalt  }
0x6f: {  	_ =	shalt  }
0x70: {  	_ =	shalt  }
0x71: {  	_ =	shalt  }
0x72: {  	_ =	shalt  }
0x73: {  	_ =	shalt  }
0x74: {  	_ =	shalt  }
0x75: {  	_ =	shalt  }
0x76: {  	_ =	shalt  }
0x77: {  	_ =	shalt  }
0x78: {  	_ =	shalt  }
0x79: {  	_ =	shalt  }
0x7a: {  	_ =	shalt  }
0x7b: {  	_ =	shalt  }
0x7c: {  	_ =	shalt  }
0x7d: {  	_ =	shalt  }
0x7e: {  	_ =	shalt  }
0x7f: {  	_ =	shalt  }
0x80: {  	_ =	shalt  }
0x81: {  	_ =	shalt  }
0x82: {  	_ =	shalt  }
0x83: {  	_ =	shalt  }
0x84: {  	_ =	shalt  }
0x85: {  	_ =	shalt  }
0x86: {  	_ =	shalt  }
0x87: {  	_ =	shalt  }
.Lfunc_end0:
.L_simem_size_0:
called_computation_lowered:
.L_overlay_start_0:
0x88: {  	s2 =	sld [smem:$0x3FD9]  }
0x89: {  	s3 =	sld [smem:$0x3FFE];
	_ =	sdelay $0x1  }
0x8a: {  	s1 =	srdreg.scid  }
0x8b: {  	s0 =	sand.u32 $0x1, s1  }
0x8c: {  	s17 =	sshll.u32 s0, $0xA;
	s2 =	sadd.s32 s3, s2  }
0x8d: {  	s2 =	sadd.s32 s2, s17  }
0x8e: {  	[smem:$0x3FC5] =	sst s2  }
0x8f: {  	_ = 	snop  }
0x90: {  	s2 =	sld [smem:$0x3FC8]  }
0x91: {  	s18 =	sld [smem:$0x3FC7];
	(tm) =	ssettm $0x1  }
0x92: {  	s4 =	sld [smem:$0x3FFB];
	_ =	sdelay $0x3  }
0x93: {  	_ =	strace s4  }
0x94: {  	s4 =	sld [smem:$0x3FFC];
	_ =	sdelay $0x3  }
0x95: {  	_ =	strace s4  }
0x96: {  	s4 =	sld [smem:$0x3FFD];
	_ =	sdelay $0x3  }
0x97: {  	_ =	strace s4  }
0x98: {  	_ =	strace $0x8FFFFFFF  }
0x99: {  	s19 =	sld [smem:$0x3FDB];
	_ =	sdelay $0x1  }
0x9a: {  	s5 =	simm.s32 $_scs_section_size  }
0x9b: {  	s6 =	simm.s32 $_size__tile_overlayer_lowered;
	s7 =	simm.s32 $_tile_overlayer_lowered  }
0x9c: {  	s22 =	simm.s32 $0x1BFF;
	s21 =	sshll.u32 s7, $0x1;
	s4 =	sadd.s32 s5, s19  }
0x9d: {  	s8 =	simm.s32 $0x0;
	s20 =	sshll.u32 s6, $0x1;
	s6 =	sadd.s32 s21, s4  }
0x9e: {  	[timem:s8], [sflag:s22] =	dma.local [hbm:s6], s20  }
0x9f: {  	_ =	swait.ge [sflag:s22], s20  }
0xa0: {  	s5 =	ssub.s32 $0x0, s20;
	[sflag:s22] =	ssyncset.done $0x0  }
0xa1: {  	[sflag:s22] =	ssyncadd.s32 s5;
	_ =	sdelay $0x1  }
0xa2: {  	s23 =	simm.s32 $0x1B8B  }
0xa3: {  	_ =	swait.ge [sflag:s23], $0x1  }
0xa4: {  	[sflag:s23] =	ssyncset.done $0x0  }
0xa5: {  	s25 =	simm.s32 $0x1B8E;
	s24 =	sld [smem:$0x3FFE];
	[sflag:s23] =	ssyncadd.s32 $0xFFFFFFFF  }
0xa6: {  	s26 =	simm.s32 $execute0_lowered;
	[smem:$0x3FD2] =	sst s25  }
0xa7: {  	s6 =	sshll.u32 s26, $0x1;
	_ =	strace $0x80000046;
	[dreg:$0x1] =	wrdreg $0xFFFFFFFF  }
0xa8: {  	s28 =	simm.s32 $_size_execute0_lowered;
	s4 =	sadd.s32 s4, s6;
	[dreg:$0x0] =	wrdreg $0x0  }
0xa9: {  	s6 =	sshll.u32 s28, $0x1;
	[dreg:$0x2] =	wrdreg s4  }
0xaa: {  	[dreg:$0x3] =	wrdreg s6  }
0xab: {  	[dreg:$0x4] =	wrdreg $0xC0  }
0xac: {  	_ =	task [dreg:s8], $0x5FFFF  }
0xad: {  	[dreg:$0x1] =	wrdreg $0xFFFFFFFF  }
0xae: {  	[dreg:$0x0] =	wrdreg $0x60  }
0xaf: {  	[dreg:$0x2] =	wrdreg s24  }
0xb0: {  	[dreg:$0x3] =	wrdreg s2  }
0xb1: {  	[dreg:$0x4] =	wrdreg s18  }
0xb2: {  	[dreg:$0x5] =	wrdreg $0x9  }
0xb3: {  	_ =	task.clear_ibuf [dreg:s8], $0x6FFFF;
	_ =	strace $0x90000046  }
0xb4: {  	s29 =	simm.s32 $0x9;
	_ =	strace $0x80000048  }
0xb5: {  	_ =	swait.ge [sflag:s29], $0x1  }
0xb6: {  	[sflag:s29] =	ssyncadd.s32 $0xFFFFFFFF  }
0xb7: {  	_ =	strace $0x90000048  }
0xb8: {  	_ =	sfence  }
0xb9: {  	s30 =	sld [smem:$0x0];
	_ =	sdelay $0x2  }
0xba: {  	s31 =	sshll.u32 s1, $0xD;
	s1 =	sshrl.u32 s1, $0x2  }
0xbb: {  	s3 =	sand.u32 $0x4000, s31;
	s1 =	sadd.s32 s1, s30  }
0xbc: {  	s0 =	sor.u32 s3, s0;
	s1 =	sshll.u32 s1, $0x11  }
0xbd: {  	s0 =	sor.u32 s1, s0  }
0xbe: {  	s0 =	sadd.s32 $0x8F2B, s0  }
0xbf: {  	[sflag:s0] =	ssyncadd.remote.s32 $0x1  }
0xc0: {  	_ =	sfence.sel $0xFFFF  }
0xc1: {  	[dreg:$0x0] =	wrdreg $0xFFFFFFFF;
	(pc) =	sbr.abs _section_cstart, $3  }
0xc2: {  	[dreg:$0x1] =	wrdreg $0xFFFFFFFF  }
0xc3: {  	_ =	task.clear_ibuf [dreg:s8], $0x2FFFF;
	_ =	strace $0x9FFFFFFF  }
0xc4: {  	(tm) =	ssettm $0x7FFFFFFF  }
0xc5: {  	_ =	shalt  }
tec
execute0_lowered:
.L_overlay_start_1:
0x0: {  	(tag) =	ssettag $0x1  }
0x1: {  	s1 =	rddreg [dreg:$0x0];
	v0 =	vimm.s32 $0x0;
	v1 =	vlaneseq.u32;
	vm5 =	vmmov $0x3  }
0x2: {  	s5 =	rddreg [dreg:$0x1];
	vm6 =	vmmov $0x7;
	vm7 =	vmmov $0xf;
	vm8 =	vmmov $0x1f  }
0x3: {  	s6 =	rddreg [dreg:$0x2];
	s3 =	simm.s32 $0x0;
	vm9 =	vmmov $0x3f;
	vm2 =	vmmov $0x7ff;
	v18 =	vimm.s32 $0x0  }
0x4: {  	vm10 =	vmmov $0x7f;
	vm11 =	vmmov $0xff;
	[smem:$0x7FF] =	sst s3;
	v18 =	vsel vm2, $0xFFFFFFFF, v18  }
0x5: {  	s0 =	rddreg [dreg:$0x3];
	vm13 =	vmmov $0x1ff;
	vm3 =	vmmov $0xfff;
	_ =	strace $0x80000047;
	[tilespmem:$0x1FFA0] =	vst v18;
	v18 =	vimm.s32 $0x0  }
0x6: {  	s4 =	srdreg.scid;
	s2 =	stileid.u32;
	vm12 =	vmmov $0x3ff;
	vm15 =	vmmov $0x1fff;
	s12 =	simm.s32 $0x12200;
	v18 =	vsel vm3, $0xFFFFFFFF, v18  }
0x7: {  	vm0 =	vmmov $0x3fff;
	vm1 =	vmmov $0x7fff;
	s13 =	simm.s32 $0x12600;
	s14 =	simm.s32 $0x40;
	s15 =	simm.s32 $0x10000;
	[tilespmem:$0x1FFB0] =	vst v18;
	v18 =	vimm.s32 $0x0  }
0x8: {  	v2 =	vimm.s32 $0x7;
	v3 =	vimm.s32 $0x3;
	s16 =	simm.s32 $0x1;
	s17 =	simm.s32 $0x2000;
	s18 =	simm.s32 $0x12680;
	v18 =	vsel vm15, $0xFFFFFFFF, v18  }
0x9: {  	vm14 =	vmmov $0x1;
	v5 =	vimm.s32 $0x1;
	s19 =	simm.s32 $0x0;
	s8 =	sand.u32 $0x1, s4;
	s29 =	sshll.u32 s2, $0x1;
	[tilespmem:$0x1FFC0] =	vst v18;
	v18 =	vimm.s32 $0x0  }
0xa: {  	v6 =	vimm.s32 $0x2;
	v7 =	vimm.s32 $0x4;
	s4 =	sadd.s32 $0x200000, s1;
	s30 =	sshll.u32 s2, $0xA;
	s7 =	sor.u32 s8, s29;
	v18 =	vsel vm0, $0xFFFFFFFF, v18  }
.Ltmp0:
0xb: {  	v8 =	vimm.s32 $0x5;
	v9 =	vimm.s32 $0x6;
	s10 =	ssub.s32 $0x2, s8;
	s31 =	sshll.u32 s8, $0x9;
	[tilespmem:$0x1FFD0] =	vst v18;
	v18 =	vimm.s32 $0x0;
	(pc) =	sbr.rel .LBB2_1-.Ltmp0, $4  }
0xc: {  	v10 =	vimm.s32 $0x8;
	v11 =	vimm.s32 $0x9;
	s9 =	sshll.u32 s7, $0x4;
	s11 =	sshrl.u32 s10, $0x1;
	s7 =	sshll.u32 s7, $0x6;
	v18 =	vsel vm1, $0xFFFFFFFF, v18  }
0xd: {  	v12 =	vimm.s32 $0xA;
	v13 =	vimm.s32 $0xB;
	s9 =	sadd.s32 s9, s1;
	s10 =	ssub.s32 s10, s11;
	s5 =	sadd.s32 s5, s7;
	[tilespmem:$0x1FFE0] =	vst v18;
	v18 =	vimm.s32 $0x0  }
0xe: {  	v14 =	vimm.s32 $0xC;
	v15 =	vimm.s32 $0xD;
	s6 =	sadd.s32 s6, s7;
	s11 =	simm.s32 $0x2;
	s7 =	sadd.s32 $0x240000, s9;
	v18 =	vsel vm12, $0xFFFFFFFF, v18  }
0xf: {  	v16 =	vimm.s32 $0xE;
	v17 =	vimm.s32 $0xF;
	v4 =	vmul.u32 $0x8, v1;
	s8 =	smax.u32 s10, $0x1;
	s9 =	sor.u32 s31, s30;
	s10 =	simm.s32 $0x12000;
	[tilespmem:$0x1FFF0] =	vst v18  }
.LBB2_25:
0x10: {  	[tilespmem:$0x12680] =	vst v18  }
0x11: {  	[hbm4b:s7+s3] =	stream.linear.scatter [tilespmem:s18], [sflag:$0x2], $0x80, $0x38;
	[tilespmem:$0x12700] =	vst v63  }
0x12: {  	_ =	swait.ge [sflag:s11], $0x80  }
0x13: {  	v18 =	vld [tilespmem:$0x1FFA0];
	_ =	sdelay $0x4  }
0x14: {  	vm2 =	vnez.u8 v18;
	v18 =	vld [tilespmem:$0x1FFB0];
	_ =	sdelay $0x3  }
0x15: {  	s19 =	sadd.s32 $0x1, s19  }
0x16: {  	p0 =	sne.s32 s19, s8;
	vm3 =	vnez.u8 v18;
	v18 =	vld [tilespmem:$0x1FFC0]  }
.Ltmp1:
0x17: {  	_ = 	snop;
	(pc) =	sbr.rel @!p0 .LBB2_26-.Ltmp1, $3  }
0x18: {  	_ =	sdelay $0x1  }
0x19: {  	[sflag:s11] =	ssyncset.done $0x0  }
0x1a: {  	[sflag:s11] =	ssyncadd.s32 $0xFFFFFF80;
	vm15 =	vnez.u8 v18  }
.LBB2_1:
0x1b: {  	[tilespmem:s10], [sflag:$0x2] =	stream.linear.gather [hbm4b:s5+s3], $0x200, $0x38;
	[tilespmem:$0x12700] =	vst v63  }
0x1c: {  	_ =	swait.ge [sflag:s11], $0x200  }
0x1d: {  	[sflag:s11] =	ssyncset.done $0x0  }
0x1e: {  	[sflag:s11] =	ssyncadd.s32 $0xFFFFFE00  }
0x1f: {  	[tilespmem:s12], [sflag:$0x2] =	stream.linear.gather [hbm4b:s6+s3], $0x200, $0x38;
	[tilespmem:$0x12700] =	vst v63  }
0x20: {  	_ =	swait.ge [sflag:s11], $0x200  }
0x21: {  	s20 =	sadd.s32 $0x0, s9;
	[sflag:s11] =	ssyncset.done $0x0  }
0x22: {  	s21 =	sand.u32 $0x30, s3;
	s22 =	sand.u32 $0x380, s3;
	[sflag:s11] =	ssyncadd.s32 $0xFFFFFE00  }
0x23: {  	v18 =	vor.u32 s20, v1;
	s31 =	sor.u32 s21, s22;
	[tilespmem:$0x12600] =	vst v0  }
0x24: {  	s21 =	simm.s32 $0x10;
	s22 =	simm.s32 $0x0;
	[tilespmem:s31+$0x0] =	vst v18  }
.LBB2_2:
0x25: {  	p0 =	sne.s32 s21, $0x1F0  }
.Ltmp2:
0x26: {  	_ = 	snop;
	(pc) =	sbr.rel @p0 .LBB2_2-.Ltmp2, $4  }
0x27: {  	s22 =	sadd.s32 $0x20, s22  }
0x28: {  	s20 =	sadd.s32 s21, s9;
	s23 =	sand.u32 $0x30, s21;
	s24 =	sand.u32 $0x380, s22  }
0x29: {  	v18 =	vor.u32 s20, v1;
	s31 =	sor.u32 s23, s24  }
0x2a: {  	s21 =	sadd.s32 $0x10, s21;
	s20 =	simm.s32 $0x0;
	[tilespmem:s31+$0x0] =	vst v18  }
0x2b: {  	s21 =	sadd.s32 $0x0, s9;
	s22 =	sand.u32 $0x30, s20;
	s23 =	sand.u32 $0x380, s20  }
0x2c: {  	v18 =	vor.u32 s21, v1;
	s21 =	sor.u32 s22, s23  }
0x2d: {  	s22 =	simm.s32 $0x10;
	s23 =	simm.s32 $0x0;
	[tilespmem:s21+$0x400] =	vst v18  }
.LBB2_4:
0x2e: {  	p0 =	sne.s32 s22, $0x1F0  }
.Ltmp3:
0x2f: {  	_ = 	snop;
	(pc) =	sbr.rel @p0 .LBB2_4-.Ltmp3, $4  }
0x30: {  	s23 =	sadd.s32 $0x20, s23  }
0x31: {  	s24 =	sadd.s32 s22, s9;
	s25 =	sand.u32 $0x30, s22;
	s26 =	sand.u32 $0x380, s23  }
0x32: {  	v19 =	vor.u32 s24, v1;
	s31 =	sor.u32 s25, s26  }
0x33: {  	s22 =	sadd.s32 $0x10, s22;
	[tilespmem:s31+$0x400] =	vst v19  }
0x34: {  	s22 =	simm.s32 $0x10;
	[tilespmem:s21+$0x800] =	vst v18  }
.LBB2_6:
0x35: {  	p0 =	sne.s32 s22, $0x1F0  }
.Ltmp4:
0x36: {  	_ = 	snop;
	(pc) =	sbr.rel @p0 .LBB2_6-.Ltmp4, $4  }
0x37: {  	s20 =	sadd.s32 $0x20, s20  }
0x38: {  	s21 =	sadd.s32 s22, s9;
	s23 =	sand.u32 $0x30, s22;
	s24 =	sand.u32 $0x380, s20  }
0x39: {  	v18 =	vor.u32 s21, v1;
	s31 =	sor.u32 s23, s24  }
0x3a: {  	s22 =	sadd.s32 $0x10, s22;
	s21 =	simm.s32 $0x0;
	[tilespmem:s31+$0x800] =	vst v18  }
0x3b: {  	s20 =	sadd.s32 $0x0, s9;
	s22 =	sand.u32 $0x30, s21;
	s23 =	sand.u32 $0x380, s21  }
0x3c: {  	v18 =	vor.u32 s20, v1;
	s20 =	sor.u32 s22, s23  }
0x3d: {  	s22 =	simm.s32 $0x10;
	s23 =	simm.s32 $0x0;
	[tilespmem:s20+$0xC00] =	vst v18  }
.LBB2_8:
0x3e: {  	p0 =	sne.s32 s22, $0x1F0  }
.Ltmp5:
0x3f: {  	_ = 	snop;
	(pc) =	sbr.rel @p0 .LBB2_8-.Ltmp5, $4  }
0x40: {  	s23 =	sadd.s32 $0x20, s23  }
0x41: {  	s24 =	sadd.s32 s22, s9;
	s25 =	sand.u32 $0x30, s22;
	s26 =	sand.u32 $0x380, s23  }
0x42: {  	v19 =	vor.u32 s24, v1;
	s31 =	sor.u32 s25, s26  }
0x43: {  	s22 =	sadd.s32 $0x10, s22;
	[tilespmem:s31+$0xC00] =	vst v19  }
0x44: {  	s22 =	simm.s32 $0x10;
	[tilespmem:s20+$0x1000] =	vst v18  }
.LBB2_10:
0x45: {  	p0 =	sne.s32 s22, $0x1F0  }
.Ltmp6:
0x46: {  	_ = 	snop;
	(pc) =	sbr.rel @p0 .LBB2_10-.Ltmp6, $4  }
0x47: {  	s21 =	sadd.s32 $0x20, s21  }
0x48: {  	s20 =	sadd.s32 s22, s9;
	s23 =	sand.u32 $0x30, s22;
	s24 =	sand.u32 $0x380, s21  }
0x49: {  	v18 =	vor.u32 s20, v1;
	s31 =	sor.u32 s23, s24  }
0x4a: {  	s22 =	sadd.s32 $0x10, s22;
	s20 =	simm.s32 $0x0;
	[tilespmem:s31+$0x1000] =	vst v18  }
0x4b: {  	s21 =	sadd.s32 $0x0, s9;
	s22 =	sand.u32 $0x30, s20;
	s23 =	sand.u32 $0x380, s20  }
0x4c: {  	v18 =	vor.u32 s21, v1;
	s21 =	sor.u32 s22, s23  }
0x4d: {  	s22 =	simm.s32 $0x10;
	s23 =	simm.s32 $0x0;
	[tilespmem:s21+$0x1400] =	vst v18  }
.LBB2_12:
0x4e: {  	p0 =	sne.s32 s22, $0x1F0  }
.Ltmp7:
0x4f: {  	_ = 	snop;
	(pc) =	sbr.rel @p0 .LBB2_12-.Ltmp7, $4  }
0x50: {  	s23 =	sadd.s32 $0x20, s23  }
0x51: {  	s24 =	sadd.s32 s22, s9;
	s25 =	sand.u32 $0x30, s22;
	s26 =	sand.u32 $0x380, s23  }
0x52: {  	v19 =	vor.u32 s24, v1;
	s31 =	sor.u32 s25, s26  }
0x53: {  	s22 =	sadd.s32 $0x10, s22;
	[tilespmem:s31+$0x1400] =	vst v19  }
0x54: {  	s22 =	simm.s32 $0x10;
	[tilespmem:s21+$0x1800] =	vst v18  }
.LBB2_14:
0x55: {  	p0 =	sne.s32 s22, $0x1F0  }
.Ltmp8:
0x56: {  	_ = 	snop;
	(pc) =	sbr.rel @p0 .LBB2_14-.Ltmp8, $4  }
0x57: {  	s20 =	sadd.s32 $0x20, s20  }
0x58: {  	s21 =	sadd.s32 s22, s9;
	s23 =	sand.u32 $0x30, s22;
	s24 =	sand.u32 $0x380, s20  }
0x59: {  	v18 =	vor.u32 s21, v1;
	s31 =	sor.u32 s23, s24  }
0x5a: {  	s22 =	sadd.s32 $0x10, s22;
	s21 =	simm.s32 $0x0;
	[tilespmem:s31+$0x1800] =	vst v18  }
0x5b: {  	s20 =	sadd.s32 $0x0, s9;
	s22 =	sand.u32 $0x30, s21;
	s23 =	sand.u32 $0x380, s21  }
0x5c: {  	v18 =	vor.u32 s20, v1;
	s22 =	sor.u32 s22, s23  }
0x5d: {  	s20 =	simm.s32 $0x10;
	[tilespmem:s22+$0x1C00] =	vst v18  }
.LBB2_16:
0x5e: {  	p0 =	sne.s32 s20, $0x1F0  }
.Ltmp9:
0x5f: {  	_ = 	snop;
	(pc) =	sbr.rel @p0 .LBB2_16-.Ltmp9, $4  }
0x60: {  	s21 =	sadd.s32 $0x20, s21  }
0x61: {  	s22 =	sadd.s32 s20, s9;
	s23 =	sand.u32 $0x30, s20;
	s24 =	sand.u32 $0x380, s21  }
0x62: {  	v18 =	vor.u32 s22, v1;
	s31 =	sor.u32 s23, s24  }
0x63: {  	s20 =	sadd.s32 $0x10, s20;
	[tilespmem:s31+$0x1C00] =	vst v18  }
0x64: {  	s20 =	simm.s32 $0x0  }
0x65: {  	v18 =	vld [tilespmem:s20+$0x12000];
	_ =	sdelay $0x4  }
0x66: {  	v18 =	vshrl.u32 v18, $0x7  }
0x67: {  	v19 =	vbroadcast v18, $0x7  }
0x68: {  	v20 =	vbroadcast v18, $0x3;
	v21 =	vbroadcast v18, $0x8  }
0x69: {  	v22 =	vbroadcast v18, $0xB;
	v23 =	vbroadcast v18, $0x9  }
0x6a: {  	v24 =	vbroadcast v18, $0x1;
	v25 =	vbroadcast v18, $0x0  }
0x6b: {  	v27 =	vbroadcast v18, $0x2;
	v29 =	vbroadcast v18, $0x5  }
0x6c: {  	v33 =	vbroadcast v18, $0xD;
	v63 =	vbroadcast v18, $0xC;
	vm0 =	veq.s32 v18, v20  }
0x6d: {  	vm1 =	veq.s32 v18, v22;
	v28 =	vsel vm0, $0x1, v0;
	vm0 =	veq.s32 v18, v19  }
0x6e: {  	v19 =	vsel vm1, $0x1, v0;
	vm1 =	veq.s32 v18, v24;
	v24 =	vbroadcast v18, $0x4  }
0x6f: {  	v26 =	vsel vm1, $0x1, v0;
	vm1 =	veq.s32 v18, v21;
	v22 =	vsel vm0, $0x1, v0  }
0x70: {  	v20 =	vsel vm1, $0x1, v0;
	vm1 =	veq.s32 v18, v23;
	vm0 =	veq.s32 v18, v24  }
0x71: {  	v23 =	vbroadcast v18, $0xA;
	v24 =	vbroadcast v18, $0x6;
	v34 =	vsel vm11, $0x0, v22  }
0x72: {  	v21 =	vsel vm1, $0x1, v0;
	vm1 =	veq.s32 v18, v29;
	v29 =	vsel vm0, $0x1, v0  }
0x73: {  	vm0 =	veq.s32 v18, v25;
	v32 =	vsel vm13, $0x0, v20;
	v25 =	vsel vm1, $0x1, v0  }
0x74: {  	vm1 =	veq.s32 v18, v27;
	v27 =	vsel vm5, $0x0, v26;
	v30 =	vsel vm0, $0x1, v0  }
0x75: {  	vm0 =	veq.s32 v18, v23;
	v35 =	vsel vm12, $0x0, v21;
	v59 =	vsel vm8, $0x0, v29  }
0x76: {  	v31 =	vsel vm1, $0x1, v0;
	v23 =	vsel vm0, $0x1, v0;
	vm0 =	veq.s32 v1, $0x0  }
0x77: {  	vm1 =	veq.s32 v18, v24;
	v36 =	vsel vm0, $0x0, v30;
	v30 =	vadd.s32 v26, v30  }
0x78: {  	v37 =	vsel vm6, $0x0, v31;
	v27 =	vadd.s32 v27, v36;
	v30 =	vadd.s32 v31, v30  }
0x79: {  	v24 =	vsel vm7, $0x0, v28;
	v36 =	vadd.s32 v37, v27;
	v30 =	vadd.s32 v28, v30;
	v28 =	vld [tilespmem:$0x1FFD0]  }
0x7a: {  	v61 =	vsel vm9, $0x0, v25;
	v26 =	vsel vm3, $0x0, v19;
	v24 =	vadd.s32 v24, v36  }
0x7b: {  	v60 =	vsel vm1, $0x1, v0;
	vm0 =	veq.s32 v18, v33;
	v37 =	vadd.s32 v59, v24  }
0x7c: {  	v62 =	vsel vm10, $0x0, v60;
	v27 =	vsel vm2, $0x0, v23;
	v31 =	vadd.s32 v61, v37  }
0x7d: {  	v29 =	vadd.s32 v29, v30;
	v24 =	vsel vm0, $0x1, v0;
	v31 =	vadd.s32 v62, v31  }
0x7e: {  	v29 =	vadd.s32 v25, v29;
	vm0 =	vnez.u8 v28;
	v30 =	vadd.s32 v34, v31  }
0x7f: {  	v29 =	vadd.s32 v60, v29;
	v28 =	vsel vm0, $0x0, v24;
	v31 =	vadd.s32 v32, v30  }
0x80: {  	s22 =	simm.s32 $0x40;
	s23 =	smov.u32 s9;
	s21 =	smov.u32 s9;
	v25 =	vld.idx.msk [tilespmem:v18+s13+$0x0], $0xffff;
	v30 =	vbroadcast v18, $0xE;
	vm0 =	veq.s32 v18, v63;
	v31 =	vadd.s32 v35, v31  }
.LBB2_18:
0x81: {  	v27 =	vadd.s32 v27, v31;
	v31 =	vsel vm0, $0x1, v0  }
0x82: {  	v22 =	vadd.s32 v22, v29;
	v26 =	vadd.s32 v26, v27;
	v27 =	vsel vm15, $0x0, v31  }
0x83: {  	v20 =	vadd.s32 v20, v22;
	v22 =	vadd.s32 v27, v26  }
0x84: {  	v20 =	vadd.s32 v21, v20;
	v21 =	vadd.s32 v28, v22;
	v22 =	vld [tilespmem:$0x1FFE0];
	_ =	sdelay $0x3  }
0x85: {  	vm0 =	veq.s32 v18, v30  }
0x86: {  	v26 =	vsel vm0, $0x1, v0;
	vm0 =	vnez.u8 v22  }
0x87: {  	v20 =	vadd.s32 v23, v20;
	v22 =	vsel vm0, $0x0, v26  }
0x88: {  	v19 =	vadd.s32 v19, v20;
	v21 =	vadd.s32 v22, v21;
	v22 =	vbroadcast v18, $0xF  }
0x89: {  	v19 =	vadd.s32 v31, v19;
	v20 =	vadd.s32 v25, v21  }
0x8a: {  	v19 =	vadd.s32 v24, v19;
	vm0 =	veq.s32 v18, v22;
	v22 =	vshll.u32 v20, $0x1  }
0x8b: {  	v23 =	vshll.u32 v18, $0xA;
	v19 =	vadd.s32 v26, v19;
	v22 =	vand.u32 $0xFFFFFF80, v22  }
0x8c: {  	v25 =	vand.u32 $0x3F, v20;
	v24 =	vsel vm0, $0x1, v0;
	v22 =	vadd.s32 v23, v22  }
0x8d: {  	v21 =	vadd.s32 $0x1, v21;
	v19 =	vadd.s32 v24, v19;
	v22 =	vor.u32 v25, v22  }
0x8e: {  	vm0 =	veq.s32 v21, v19;
	_ =	sdelay $0x2  }
0x8f: {  	v21 =	vor.u32 s21, v1  }
0x90: {  	s24 =	smov.u32 s22;
	[tilespmem:v22+s3+$0x0] =	vst.idx.msk $0xffff, v21  }
0x91: {  	s24 =	sshra.s32 s24, $0x2;
	[tilespmem:s20+$0x12400] =	vst v20  }
0x92: {  	s20 =	smov.u32 s24;
	[tilespmem:v18+s13+$0x0] =	vst.idx.add.s32.msk vm0, v19  }
0x93: {  	v18 =	vld [tilespmem:s20+$0x12000];
	_ =	sdelay $0x3  }
0x94: {  	vm12 =	vmmov vm10;
	vm10 =	vmmov vm8  }
0x95: {  	vm8 =	vmmov vm6;
	vm15 =	vmmov vm13;
	v18 =	vshrl.u32 v18, $0x7  }
0x96: {  	vm13 =	vmmov vm11;
	vm11 =	vmmov vm9;
	v19 =	vbroadcast v18, $0x7  }
0x97: {  	vm9 =	vmmov vm7;
	v20 =	vbroadcast v18, $0x8;
	v21 =	vbroadcast v18, $0x9  }
0x98: {  	vm7 =	vmmov vm5;
	v22 =	vbroadcast v18, $0xB;
	v24 =	vbroadcast v18, $0x1  }
0x99: {  	v23 =	vbroadcast v18, $0x0;
	v25 =	vbroadcast v18, $0x3;
	vm2 =	veq.s32 v18, v19  }
0x9a: {  	v19 =	vbroadcast v18, $0x2;
	vm0 =	veq.s32 v18, v22;
	vm3 =	veq.s32 v18, v24  }
0x9b: {  	vm4 =	veq.s32 v18, v21;
	vm5 =	veq.s32 v18, v25;
	v21 =	vbroadcast v18, $0x5  }
0x9c: {  	v24 =	vbroadcast v18, $0x4;
	v22 =	vbroadcast v18, $0x6;
	v26 =	vsel vm3, $0x1, v0  }
0x9d: {  	vm6 =	veq.s32 v18, v19;
	v19 =	vsel vm0, $0x1, v0;
	vm3 =	veq.s32 v18, v21;
	v21 =	vld [tilespmem:$0x1FFC0]  }
0x9e: {  	vm0 =	veq.s32 v18, v22;
	v22 =	vsel vm2, $0x1, v0;
	vm2 =	veq.s32 v18, v24;
	v24 =	vld [tilespmem:$0x1FFF0]  }
0x9f: {  	v28 =	vsel vm5, $0x1, v0;
	vm5 =	veq.s32 v18, v20  }
0xa0: {  	vm1 =	veq.s32 v18, v23;
	v20 =	vsel vm5, $0x1, v0  }
0xa1: {  	vm5 =	vmmov vm7;
	vm7 =	vmmov vm9;
	vm9 =	vmmov vm11  }
0xa2: {  	vm11 =	vmmov vm13;
	vm13 =	vmmov vm15;
	v33 =	vsel vm2, $0x1, v0  }
0xa3: {  	vm15 =	vnez.u8 v21;
	v21 =	vsel vm4, $0x1, v0;
	vm2 =	vnez.u8 v24  }
0xa4: {  	v24 =	vsel vm1, $0x1, v0;
	v35 =	vsel vm2, $0x0, v21;
	vm2 =	veq.s32 v1, $0x0  }
0xa5: {  	v59 =	vadd.s32 v26, v24;
	v37 =	vsel vm2, $0x0, v24;
	v24 =	vld [tilespmem:$0x1FFB0];
	_ =	sdelay $0x1  }
0xa6: {  	v23 =	vbroadcast v18, $0xA  }
0xa7: {  	v27 =	vsel vm5, $0x0, v26;
	v36 =	vsel vm6, $0x1, v0;
	vm6 =	vmmov vm8  }
0xa8: {  	v38 =	vsel vm6, $0x0, v36;
	vm1 =	veq.s32 v18, v23;
	v27 =	vadd.s32 v27, v37  }
0xa9: {  	v23 =	vsel vm1, $0x1, v0;
	vm1 =	vnez.u8 v24;
	v24 =	vadd.s32 v38, v27;
	v27 =	vld [tilespmem:$0x1FFA0]  }
0xaa: {  	v31 =	vbroadcast v18, $0xD;
	v62 =	vbroadcast v18, $0xC;
	v29 =	vsel vm7, $0x0, v28  }
0xab: {  	v30 =	vsel vm13, $0x0, v20;
	v32 =	vsel vm11, $0x0, v22;
	v36 =	vadd.s32 v36, v59  }
0xac: {  	v34 =	vsel vm3, $0x1, v0;
	vm8 =	vmmov vm10;
	v36 =	vadd.s32 v28, v36;
	v28 =	vld [tilespmem:$0x1FFD0]  }
0xad: {  	v61 =	vsel vm0, $0x1, v0;
	v60 =	vsel vm8, $0x0, v33;
	v26 =	vsel vm1, $0x0, v19  }
0xae: {  	v24 =	vadd.s32 v29, v24;
	v29 =	vsel vm9, $0x0, v34;
	vm1 =	vnez.u8 v27  }
0xaf: {  	p0 =	sne.s32 s22, $0x7C0;
	v27 =	vsel vm1, $0x0, v23;
	vm1 =	veq.s32 v18, v31;
	v31 =	vadd.s32 v60, v24  }
.Ltmp10:
0xb0: {  	vm10 =	vmmov vm12;
	v29 =	vadd.s32 v29, v31;
	v31 =	vsel vm12, $0x0, v61;
	(pc) =	sbr.rel @p0 .LBB2_18-.Ltmp10, $4  }
0xb1: {  	vm0 =	vnez.u8 v28;
	v24 =	vsel vm1, $0x1, v0;
	v29 =	vadd.s32 v31, v29  }
0xb2: {  	v28 =	vsel vm0, $0x0, v24;
	v31 =	vadd.s32 v33, v36;
	v29 =	vadd.s32 v32, v29  }
0xb3: {  	s23 =	sadd.s32 $0x10, s23;
	vm0 =	veq.s32 v18, v62;
	v31 =	vadd.s32 v34, v31;
	v63 =	vadd.s32 v30, v29  }
0xb4: {  	s22 =	sadd.s32 $0x40, s22;
	s21 =	smov.u32 s23;
	v25 =	vld.idx.msk [tilespmem:v18+s13+$0x0], $0xffff;
	v30 =	vbroadcast v18, $0xE;
	v29 =	vadd.s32 v61, v31;
	v31 =	vadd.s32 v35, v63  }
0xb5: {  	v58 =	vld [tilespmem:$0x1FFE0];
	_ =	sdelay $0x1  }
0xb6: {  	v27 =	vadd.s32 v27, v31  }
0xb7: {  	v53 =	vsel vm0, $0x1, v0;
	v22 =	vadd.s32 v22, v29;
	vm0 =	veq.s32 v18, v30  }
0xb8: {  	v26 =	vadd.s32 v26, v27;
	v54 =	vsel vm15, $0x0, v53;
	v20 =	vadd.s32 v20, v22  }
0xb9: {  	v55 =	vadd.s32 v54, v26;
	v56 =	vsel vm0, $0x1, v0;
	vm0 =	vnez.u8 v58  }
0xba: {  	v20 =	vadd.s32 v21, v20;
	v57 =	vadd.s32 v28, v55;
	v22 =	vsel vm0, $0x0, v56  }
0xbb: {  	v59 =	vbroadcast v18, $0xF;
	v20 =	vadd.s32 v23, v20;
	v21 =	vadd.s32 v22, v57  }
0xbc: {  	v60 =	vshll.u32 v18, $0xA;
	v19 =	vadd.s32 v19, v20;
	v20 =	vadd.s32 v25, v21  }
0xbd: {  	v19 =	vadd.s32 v53, v19;
	vm0 =	veq.s32 v18, v59;
	v61 =	vshll.u32 v20, $0x1  }
0xbe: {  	v19 =	vadd.s32 v24, v19;
	v62 =	vsel vm0, $0x1, v0;
	v22 =	vand.u32 $0xFFFFFF80, v61  }
0xbf: {  	v19 =	vadd.s32 v56, v19;
	v25 =	vand.u32 $0x3F, v20;
	v22 =	vadd.s32 v60, v22  }
0xc0: {  	v19 =	vadd.s32 v62, v19;
	v21 =	vadd.s32 $0x1, v21;
	v22 =	vor.u32 v25, v22  }
0xc1: {  	vm0 =	veq.s32 v21, v19;
	_ =	sdelay $0x2  }
0xc2: {  	v63 =	vor.u32 s21, v1  }
0xc3: {  	[tilespmem:v22+s3+$0x0] =	vst.idx.msk $0xffff, v63  }
0xc4: {  	[tilespmem:s20+$0x12400] =	vst v20  }
0xc5: {  	[tilespmem:v18+s13+$0x0] =	vst.idx.add.s32.msk vm0, v19  }
0xc6: {  	v18 =	vld [tilespmem:$0x12600];
	_ =	sdelay $0x4  }
0xc7: {  	v18 =	vxor.u32 $0x80000000, v18  }
0xc8: {  	(xrf0) =	vmax.scan.msk.u32 $0xffff, v18;
	_ =	sdelay $0x5  }
0xc9: {  	v18, _, _ =	vpop (xrf0)  }
0xca: {  	(v2sf) =	vpush v18, $0xF;
	_ =	sdelay $0xe  }
0xcb: {  	s31 =	spop (v2sf)  }
0xcc: {  	s20 =	sxor.u32 $0x80000000, s31  }
0xcd: {  	v32 =	vld [tilespmem:$0x1FFF0];
	p0 =	slt.s32 s20, $0x1  }
.Ltmp11:
0xce: {  	_ = 	snop;
	(pc) =	sbr.rel @p0 .LBB2_25-.Ltmp11, $2  }
0xcf: {  	_ =	sdelay $0x2  }
0xd0: {  	s23 =	simm.s32 $0x0;
	s21 =	simm.s32 $0x20;
	s22 =	simm.s32 $0x0;
	vm12 =	vnez.u8 v32;
	v18 =	vimm.f32 $0.0e+00  }
.LBB2_20:
0xd1: {  	s24 =	sshll.u32 s22, $0x9;
	s25 =	smov.u32 s21  }
0xd2: {  	s26 =	simm.s32 $0x0;
	s28 =	smov.u32 s1;
	s24 =	sshra.s32 s24, $0x2  }
.LBB2_21:
0xd3: {  	v19 =	vld [tilespmem:s25+$0xFFFFFFE0];
	_ =	sdelay $0x4  }
0xd4: {  	v20 =	vshll.u32 v19, $0x3  }
0xd5: {  	v19 =	vand.u32 $0x7, v19;
	v20 =	vand.u32 $0xFFFFFFC0, v20  }
0xd6: {  	v19 =	vor.u32 v19, v20  }
0xd7: {  	v20 =	vperm.xlane v19, v0;
	_ =	sdelay $0x1  }
0xd8: {  	v21 =	vperm.xlane v19, v5;
	v20 =	vadd.s32 v4, v20;
	_ =	sdelay $0x1  }
0xd9: {  	v22 =	vperm.xlane v19, v6;
	v21 =	vadd.s32 v4, v21  }
0xda: {  	s29 =	sshra.s32 s26, $0x2  }
0xdb: {  	s30 =	sadd.s32 $0x2000, s29;
	v23 =	vperm.xlane v19, v3;
	v22 =	vadd.s32 v4, v22  }
0xdc: {  	[tilespmem:s30], [sflag:$0x1] =	stream.indirect_vreg.gather [hbm4b:s28+s3], $0x80, v20, vm14, $0xb8;
	[tilespmem:$0x12700] =	vst v63  }
0xdd: {  	s31 =	sadd.s32 $0x2080, s29;
	v59 =	vperm.xlane v19, v7;
	v20 =	vadd.s32 v4, v23  }
0xde: {  	[tilespmem:s31], [sflag:$0x1] =	stream.indirect_vreg.gather [hbm4b:s28+s3], $0x80, v21, vm14, $0xb8;
	[tilespmem:$0x12700] =	vst v63  }
0xdf: {  	v61 =	vperm.xlane v19, v8;
	v60 =	vadd.s32 v4, v59;
	s31 =	sadd.s32 $0x2100, s29  }
0xe0: {  	[tilespmem:s31], [sflag:$0x1] =	stream.indirect_vreg.gather [hbm4b:s28+s3], $0x80, v22, vm14, $0xb8;
	[tilespmem:$0x12700] =	vst v63  }
0xe1: {  	v63 =	vperm.xlane v19, v9;
	v62 =	vadd.s32 v4, v61;
	s31 =	sadd.s32 $0x2180, s29  }
0xe2: {  	[tilespmem:s31], [sflag:$0x1] =	stream.indirect_vreg.gather [hbm4b:s28+s3], $0x80, v20, vm14, $0xb8;
	[tilespmem:$0x12700] =	vst v63  }
0xe3: {  	v24 =	vperm.xlane v19, v2;
	s31 =	sadd.s32 $0x2200, s29;
	v20 =	vadd.s32 v4, v63  }
0xe4: {  	[tilespmem:s31], [sflag:$0x1] =	stream.indirect_vreg.gather [hbm4b:s28+s3], $0x80, v60, vm14, $0xb8;
	[tilespmem:$0x12700] =	vst v63  }
0xe5: {  	v26 =	vperm.xlane v19, v10;
	v25 =	vadd.s32 v4, v24;
	s31 =	sadd.s32 $0x2280, s29  }
0xe6: {  	[tilespmem:s31], [sflag:$0x1] =	stream.indirect_vreg.gather [hbm4b:s28+s3], $0x80, v62, vm14, $0xb8;
	[tilespmem:$0x12700] =	vst v63  }
0xe7: {  	v28 =	vperm.xlane v19, v11;
	v27 =	vadd.s32 v4, v26;
	s31 =	sadd.s32 $0x2300, s29  }
0xe8: {  	[tilespmem:s31], [sflag:$0x1] =	stream.indirect_vreg.gather [hbm4b:s28+s3], $0x80, v20, vm14, $0xb8;
	[tilespmem:$0x12700] =	vst v63  }
0xe9: {  	v29 =	vperm.xlane v19, v12;
	s31 =	sadd.s32 $0x2380, s29;
	v20 =	vadd.s32 v4, v28  }
0xea: {  	[tilespmem:s31], [sflag:$0x1] =	stream.indirect_vreg.gather [hbm4b:s28+s3], $0x80, v25, vm14, $0xb8;
	[tilespmem:$0x12700] =	vst v63  }
0xeb: {  	v31 =	vperm.xlane v19, v13;
	v30 =	vadd.s32 v4, v29;
	s31 =	sadd.s32 $0x2400, s29  }
0xec: {  	[tilespmem:s31], [sflag:$0x1] =	stream.indirect_vreg.gather [hbm4b:s28+s3], $0x80, v27, vm14, $0xb8;
	[tilespmem:$0x12700] =	vst v63  }
0xed: {  	v33 =	vperm.xlane v19, v14;
	v32 =	vadd.s32 v4, v31;
	s31 =	sadd.s32 $0x2480, s29  }
0xee: {  	[tilespmem:s31], [sflag:$0x1] =	stream.indirect_vreg.gather [hbm4b:s28+s3], $0x80, v20, vm14, $0xb8;
	[tilespmem:$0x12700] =	vst v63  }
0xef: {  	v34 =	vperm.xlane v19, v15;
	s31 =	sadd.s32 $0x2500, s29;
	v20 =	vadd.s32 v4, v33  }
0xf0: {  	[tilespmem:s31], [sflag:$0x1] =	stream.indirect_vreg.gather [hbm4b:s28+s3], $0x80, v30, vm14, $0xb8;
	[tilespmem:$0x12700] =	vst v63  }
0xf1: {  	v36 =	vperm.xlane v19, v16;
	v35 =	vadd.s32 v4, v34;
	s31 =	sadd.s32 $0x2580, s29  }
0xf2: {  	[tilespmem:s31], [sflag:$0x1] =	stream.indirect_vreg.gather [hbm4b:s28+s3], $0x80, v32, vm14, $0xb8;
	[tilespmem:$0x12700] =	vst v63  }
0xf3: {  	v19 =	vperm.xlane v19, v17;
	v37 =	vadd.s32 v4, v36;
	s31 =	sadd.s32 $0x2600, s29  }
0xf4: {  	[tilespmem:s31], [sflag:$0x1] =	stream.indirect_vreg.gather [hbm4b:s28+s3], $0x80, v20, vm14, $0xb8;
	[tilespmem:$0x12700] =	vst v63  }
0xf5: {  	v19 =	vadd.s32 v4, v19;
	s31 =	sadd.s32 $0x2680, s29  }
0xf6: {  	[tilespmem:s31], [sflag:$0x1] =	stream.indirect_vreg.gather [hbm4b:s28+s3], $0x80, v35, vm14, $0xb8;
	[tilespmem:$0x12700] =	vst v63  }
0xf7: {  	s31 =	sadd.s32 $0x2700, s29  }
0xf8: {  	[tilespmem:s31], [sflag:$0x1] =	stream.indirect_vreg.gather [hbm4b:s28+s3], $0x80, v37, vm14, $0xb8;
	[tilespmem:$0x12700] =	vst v63  }
0xf9: {  	s31 =	sadd.s32 $0x2780, s29  }
0xfa: {  	[tilespmem:s31], [sflag:$0x1] =	stream.indirect_vreg.gather [hbm4b:s28+s3], $0x80, v19, vm14, $0xb8;
	[tilespmem:$0x12700] =	vst v63  }
0xfb: {  	v19 =	vld [tilespmem:s25+$0xFFFFFFF0];
	_ =	sdelay $0x4  }
0xfc: {  	v20 =	vshll.u32 v19, $0x3  }
0xfd: {  	v19 =	vand.u32 $0x7, v19;
	v20 =	vand.u32 $0xFFFFFFC0, v20  }
0xfe: {  	v19 =	vor.u32 v19, v20  }
0xff: {  	v20 =	vperm.xlane v19, v0;
	_ =	sdelay $0x1  }
0x100: {  	v38 =	vperm.xlane v19, v5;
	v20 =	vadd.s32 v4, v20;
	_ =	sdelay $0x1  }
0x101: {  	v39 =	vperm.xlane v19, v6;
	v21 =	vadd.s32 v4, v38;
	_ =	sdelay $0x1  }
0x102: {  	s31 =	sadd.s32 $0x2800, s29;
	v40 =	vperm.xlane v19, v3;
	v22 =	vadd.s32 v4, v39  }
0x103: {  	[tilespmem:s31], [sflag:$0x1] =	stream.indirect_vreg.gather [hbm4b:s28+s3], $0x80, v20, vm14, $0xb8;
	[tilespmem:$0x12700] =	vst v63  }
0x104: {  	v41 =	vperm.xlane v19, v7;
	s31 =	sadd.s32 $0x2880, s29;
	v20 =	vadd.s32 v4, v40  }
0x105: {  	[tilespmem:s31], [sflag:$0x1] =	stream.indirect_vreg.gather [hbm4b:s28+s3], $0x80, v21, vm14, $0xb8;
	[tilespmem:$0x12700] =	vst v63  }
0x106: {  	v43 =	vperm.xlane v19, v8;
	v42 =	vadd.s32 v4, v41;
	s31 =	sadd.s32 $0x2900, s29  }
0x107: {  	[tilespmem:s31], [sflag:$0x1] =	stream.indirect_vreg.gather [hbm4b:s28+s3], $0x80, v22, vm14, $0xb8;
	[tilespmem:$0x12700] =	vst v63  }
0x108: {  	v45 =	vperm.xlane v19, v9;
	v44 =	vadd.s32 v4, v43;
	s31 =	sadd.s32 $0x2980, s29  }
0x109: {  	[tilespmem:s31], [sflag:$0x1] =	stream.indirect_vreg.gather [hbm4b:s28+s3], $0x80, v20, vm14, $0xb8;
	[tilespmem:$0x12700] =	vst v63  }
0x10a: {  	v46 =	vperm.xlane v19, v2;
	s31 =	sadd.s32 $0x2A00, s29;
	v20 =	vadd.s32 v4, v45  }
0x10b: {  	[tilespmem:s31], [sflag:$0x1] =	stream.indirect_vreg.gather [hbm4b:s28+s3], $0x80, v42, vm14, $0xb8;
	[tilespmem:$0x12700] =	vst v63  }
0x10c: {  	v48 =	vperm.xlane v19, v10;
	v47 =	vadd.s32 v4, v46;
	s31 =	sadd.s32 $0x2A80, s29  }
0x10d: {  	[tilespmem:s31], [sflag:$0x1] =	stream.indirect_vreg.gather [hbm4b:s28+s3], $0x80, v44, vm14, $0xb8;
	[tilespmem:$0x12700] =	vst v63  }
0x10e: {  	v50 =	vperm.xlane v19, v11;
	v49 =	vadd.s32 v4, v48;
	s31 =	sadd.s32 $0x2B00, s29  }
0x10f: {  	[tilespmem:s31], [sflag:$0x1] =	stream.indirect_vreg.gather [hbm4b:s28+s3], $0x80, v20, vm14, $0xb8;
	[tilespmem:$0x12700] =	vst v63  }
0x110: {  	v51 =	vperm.xlane v19, v12;
	s31 =	sadd.s32 $0x2B80, s29;
	v20 =	vadd.s32 v4, v50  }
0x111: {  	[tilespmem:s31], [sflag:$0x1] =	stream.indirect_vreg.gather [hbm4b:s28+s3], $0x80, v47, vm14, $0xb8;
	[tilespmem:$0x12700] =	vst v63  }
0x112: {  	v53 =	vperm.xlane v19, v13;
	v52 =	vadd.s32 v4, v51;
	s31 =	sadd.s32 $0x2C00, s29  }
0x113: {  	[tilespmem:s31], [sflag:$0x1] =	stream.indirect_vreg.gather [hbm4b:s28+s3], $0x80, v49, vm14, $0xb8;
	[tilespmem:$0x12700] =	vst v63  }
0x114: {  	v55 =	vperm.xlane v19, v14;
	v54 =	vadd.s32 v4, v53;
	s31 =	sadd.s32 $0x2C80, s29  }
0x115: {  	[tilespmem:s31], [sflag:$0x1] =	stream.indirect_vreg.gather [hbm4b:s28+s3], $0x80, v20, vm14, $0xb8;
	[tilespmem:$0x12700] =	vst v63  }
0x116: {  	v56 =	vperm.xlane v19, v15;
	s31 =	sadd.s32 $0x2D00, s29;
	v20 =	vadd.s32 v4, v55  }
0x117: {  	[tilespmem:s31], [sflag:$0x1] =	stream.indirect_vreg.gather [hbm4b:s28+s3], $0x80, v52, vm14, $0xb8;
	[tilespmem:$0x12700] =	vst v63  }
0x118: {  	v58 =	vperm.xlane v19, v16;
	v57 =	vadd.s32 v4, v56;
	s31 =	sadd.s32 $0x2D80, s29  }
0x119: {  	[tilespmem:s31], [sflag:$0x1] =	stream.indirect_vreg.gather [hbm4b:s28+s3], $0x80, v54, vm14, $0xb8;
	[tilespmem:$0x12700] =	vst v63  }
0x11a: {  	v19 =	vperm.xlane v19, v17;
	v59 =	vadd.s32 v4, v58;
	s31 =	sadd.s32 $0x2E00, s29  }
0x11b: {  	[tilespmem:s31], [sflag:$0x1] =	stream.indirect_vreg.gather [hbm4b:s28+s3], $0x80, v20, vm14, $0xb8;
	[tilespmem:$0x12700] =	vst v63  }
0x11c: {  	v19 =	vadd.s32 v4, v19;
	s31 =	sadd.s32 $0x2E80, s29  }
0x11d: {  	[tilespmem:s31], [sflag:$0x1] =	stream.indirect_vreg.gather [hbm4b:s28+s3], $0x80, v57, vm14, $0xb8;
	[tilespmem:$0x12700] =	vst v63  }
0x11e: {  	s31 =	sadd.s32 $0x2F00, s29  }
0x11f: {  	[tilespmem:s31], [sflag:$0x1] =	stream.indirect_vreg.gather [hbm4b:s28+s3], $0x80, v59, vm14, $0xb8;
	[tilespmem:$0x12700] =	vst v63  }
0x120: {  	s31 =	sadd.s32 $0x2F80, s29  }
0x121: {  	[tilespmem:s31], [sflag:$0x1] =	stream.indirect_vreg.gather [hbm4b:s28+s3], $0x80, v19, vm14, $0xb8;
	[tilespmem:$0x12700] =	vst v63  }
0x122: {  	v19 =	vld [tilespmem:s25+$0x0];
	_ =	sdelay $0x4  }
0x123: {  	v20 =	vshll.u32 v19, $0x3  }
0x124: {  	v19 =	vand.u32 $0x7, v19;
	v20 =	vand.u32 $0xFFFFFFC0, v20  }
0x125: {  	v19 =	vor.u32 v19, v20  }
0x126: {  	v20 =	vperm.xlane v19, v0;
	_ =	sdelay $0x1  }
0x127: {  	v60 =	vperm.xlane v19, v5;
	v20 =	vadd.s32 v4, v20;
	_ =	sdelay $0x1  }
0x128: {  	v61 =	vperm.xlane v19, v6;
	v21 =	vadd.s32 v4, v60;
	_ =	sdelay $0x1  }
0x129: {  	s31 =	sadd.s32 $0x3000, s29;
	v62 =	vperm.xlane v19, v3;
	v22 =	vadd.s32 v4, v61  }
0x12a: {  	[tilespmem:s31], [sflag:$0x1] =	stream.indirect_vreg.gather [hbm4b:s28+s3], $0x80, v20, vm14, $0xb8;
	[tilespmem:$0x12700] =	vst v63  }
0x12b: {  	v63 =	vperm.xlane v19, v7;
	s31 =	sadd.s32 $0x3080, s29;
	v20 =	vadd.s32 v4, v62  }
0x12c: {  	[tilespmem:s31], [sflag:$0x1] =	stream.indirect_vreg.gather [hbm4b:s28+s3], $0x80, v21, vm14, $0xb8;
	[tilespmem:$0x12700] =	vst v63  }
0x12d: {  	v25 =	vperm.xlane v19, v8;
	v24 =	vadd.s32 v4, v63;
	s31 =	sadd.s32 $0x3100, s29  }
0x12e: {  	[tilespmem:s31], [sflag:$0x1] =	stream.indirect_vreg.gather [hbm4b:s28+s3], $0x80, v22, vm14, $0xb8;
	[tilespmem:$0x12700] =	vst v63  }
0x12f: {  	v27 =	vperm.xlane v19, v9;
	v26 =	vadd.s32 v4, v25;
	s31 =	sadd.s32 $0x3180, s29  }
0x130: {  	[tilespmem:s31], [sflag:$0x1] =	stream.indirect_vreg.gather [hbm4b:s28+s3], $0x80, v20, vm14, $0xb8;
	[tilespmem:$0x12700] =	vst v63  }
0x131: {  	v28 =	vperm.xlane v19, v2;
	s31 =	sadd.s32 $0x3200, s29;
	v20 =	vadd.s32 v4, v27  }
0x132: {  	[tilespmem:s31], [sflag:$0x1] =	stream.indirect_vreg.gather [hbm4b:s28+s3], $0x80, v24, vm14, $0xb8;
	[tilespmem:$0x12700] =	vst v63  }
0x133: {  	v30 =	vperm.xlane v19, v10;
	v29 =	vadd.s32 v4, v28;
	s31 =	sadd.s32 $0x3280, s29  }
0x134: {  	[tilespmem:s31], [sflag:$0x1] =	stream.indirect_vreg.gather [hbm4b:s28+s3], $0x80, v26, vm14, $0xb8;
	[tilespmem:$0x12700] =	vst v63  }
0x135: {  	v32 =	vperm.xlane v19, v11;
	v31 =	vadd.s32 v4, v30;
	s31 =	sadd.s32 $0x3300, s29  }
0x136: {  	[tilespmem:s31], [sflag:$0x1] =	stream.indirect_vreg.gather [hbm4b:s28+s3], $0x80, v20, vm14, $0xb8;
	[tilespmem:$0x12700] =	vst v63  }
0x137: {  	v33 =	vperm.xlane v19, v12;
	s31 =	sadd.s32 $0x3380, s29;
	v20 =	vadd.s32 v4, v32  }
0x138: {  	[tilespmem:s31], [sflag:$0x1] =	stream.indirect_vreg.gather [hbm4b:s28+s3], $0x80, v29, vm14, $0xb8;
	[tilespmem:$0x12700] =	vst v63  }
0x139: {  	v35 =	vperm.xlane v19, v13;
	v34 =	vadd.s32 v4, v33;
	s31 =	sadd.s32 $0x3400, s29  }
0x13a: {  	[tilespmem:s31], [sflag:$0x1] =	stream.indirect_vreg.gather [hbm4b:s28+s3], $0x80, v31, vm14, $0xb8;
	[tilespmem:$0x12700] =	vst v63  }
0x13b: {  	v37 =	vperm.xlane v19, v14;
	v36 =	vadd.s32 v4, v35;
	s31 =	sadd.s32 $0x3480, s29  }
0x13c: {  	[tilespmem:s31], [sflag:$0x1] =	stream.indirect_vreg.gather [hbm4b:s28+s3], $0x80, v20, vm14, $0xb8;
	[tilespmem:$0x12700] =	vst v63  }
0x13d: {  	v38 =	vperm.xlane v19, v15;
	s31 =	sadd.s32 $0x3500, s29;
	v20 =	vadd.s32 v4, v37  }
0x13e: {  	[tilespmem:s31], [sflag:$0x1] =	stream.indirect_vreg.gather [hbm4b:s28+s3], $0x80, v34, vm14, $0xb8;
	[tilespmem:$0x12700] =	vst v63  }
0x13f: {  	v40 =	vperm.xlane v19, v16;
	v39 =	vadd.s32 v4, v38;
	s31 =	sadd.s32 $0x3580, s29  }
0x140: {  	[tilespmem:s31], [sflag:$0x1] =	stream.indirect_vreg.gather [hbm4b:s28+s3], $0x80, v36, vm14, $0xb8;
	[tilespmem:$0x12700] =	vst v63  }
0x141: {  	v19 =	vperm.xlane v19, v17;
	v41 =	vadd.s32 v4, v40;
	s31 =	sadd.s32 $0x3600, s29  }
0x142: {  	[tilespmem:s31], [sflag:$0x1] =	stream.indirect_vreg.gather [hbm4b:s28+s3], $0x80, v20, vm14, $0xb8;
	[tilespmem:$0x12700] =	vst v63  }
0x143: {  	v19 =	vadd.s32 v4, v19;
	s31 =	sadd.s32 $0x3680, s29  }
0x144: {  	[tilespmem:s31], [sflag:$0x1] =	stream.indirect_vreg.gather [hbm4b:s28+s3], $0x80, v39, vm14, $0xb8;
	[tilespmem:$0x12700] =	vst v63  }
0x145: {  	s31 =	sadd.s32 $0x3700, s29  }
0x146: {  	[tilespmem:s31], [sflag:$0x1] =	stream.indirect_vreg.gather [hbm4b:s28+s3], $0x80, v41, vm14, $0xb8;
	[tilespmem:$0x12700] =	vst v63  }
0x147: {  	s31 =	sadd.s32 $0x3780, s29  }
0x148: {  	[tilespmem:s31], [sflag:$0x1] =	stream.indirect_vreg.gather [hbm4b:s28+s3], $0x80, v19, vm14, $0xb8;
	[tilespmem:$0x12700] =	vst v63  }
0x149: {  	v19 =	vld [tilespmem:s25+$0x10];
	_ =	sdelay $0x4  }
0x14a: {  	v20 =	vshll.u32 v19, $0x3  }
0x14b: {  	v19 =	vand.u32 $0x7, v19;
	v20 =	vand.u32 $0xFFFFFFC0, v20  }
0x14c: {  	v19 =	vor.u32 v19, v20  }
0x14d: {  	v20 =	vperm.xlane v19, v0;
	_ =	sdelay $0x1  }
0x14e: {  	v42 =	vperm.xlane v19, v5;
	v20 =	vadd.s32 v4, v20;
	_ =	sdelay $0x1  }
0x14f: {  	v43 =	vperm.xlane v19, v6;
	v21 =	vadd.s32 v4, v42;
	_ =	sdelay $0x1  }
0x150: {  	s31 =	sadd.s32 $0x3800, s29;
	v44 =	vperm.xlane v19, v3;
	v22 =	vadd.s32 v4, v43  }
0x151: {  	[tilespmem:s31], [sflag:$0x1] =	stream.indirect_vreg.gather [hbm4b:s28+s3], $0x80, v20, vm14, $0xb8;
	[tilespmem:$0x12700] =	vst v63  }
0x152: {  	v45 =	vperm.xlane v19, v7;
	s31 =	sadd.s32 $0x3880, s29;
	v20 =	vadd.s32 v4, v44  }
0x153: {  	[tilespmem:s31], [sflag:$0x1] =	stream.indirect_vreg.gather [hbm4b:s28+s3], $0x80, v21, vm14, $0xb8;
	[tilespmem:$0x12700] =	vst v63  }
0x154: {  	v47 =	vperm.xlane v19, v8;
	v46 =	vadd.s32 v4, v45;
	s31 =	sadd.s32 $0x3900, s29  }
0x155: {  	[tilespmem:s31], [sflag:$0x1] =	stream.indirect_vreg.gather [hbm4b:s28+s3], $0x80, v22, vm14, $0xb8;
	[tilespmem:$0x12700] =	vst v63  }
0x156: {  	v49 =	vperm.xlane v19, v9;
	v48 =	vadd.s32 v4, v47;
	s31 =	sadd.s32 $0x3980, s29  }
0x157: {  	[tilespmem:s31], [sflag:$0x1] =	stream.indirect_vreg.gather [hbm4b:s28+s3], $0x80, v20, vm14, $0xb8;
	[tilespmem:$0x12700] =	vst v63  }
0x158: {  	v50 =	vperm.xlane v19, v2;
	s31 =	sadd.s32 $0x3A00, s29;
	v20 =	vadd.s32 v4, v49  }
0x159: {  	[tilespmem:s31], [sflag:$0x1] =	stream.indirect_vreg.gather [hbm4b:s28+s3], $0x80, v46, vm14, $0xb8;
	[tilespmem:$0x12700] =	vst v63  }
0x15a: {  	v52 =	vperm.xlane v19, v10;
	v51 =	vadd.s32 v4, v50;
	s31 =	sadd.s32 $0x3A80, s29  }
0x15b: {  	[tilespmem:s31], [sflag:$0x1] =	stream.indirect_vreg.gather [hbm4b:s28+s3], $0x80, v48, vm14, $0xb8;
	[tilespmem:$0x12700] =	vst v63  }
0x15c: {  	v54 =	vperm.xlane v19, v11;
	v53 =	vadd.s32 v4, v52;
	s31 =	sadd.s32 $0x3B00, s29  }
0x15d: {  	[tilespmem:s31], [sflag:$0x1] =	stream.indirect_vreg.gather [hbm4b:s28+s3], $0x80, v20, vm14, $0xb8;
	[tilespmem:$0x12700] =	vst v63  }
0x15e: {  	v55 =	vperm.xlane v19, v12;
	s31 =	sadd.s32 $0x3B80, s29;
	v20 =	vadd.s32 v4, v54  }
0x15f: {  	[tilespmem:s31], [sflag:$0x1] =	stream.indirect_vreg.gather [hbm4b:s28+s3], $0x80, v51, vm14, $0xb8;
	[tilespmem:$0x12700] =	vst v63  }
0x160: {  	v57 =	vperm.xlane v19, v13;
	v56 =	vadd.s32 v4, v55;
	s31 =	sadd.s32 $0x3C00, s29  }
0x161: {  	[tilespmem:s31], [sflag:$0x1] =	stream.indirect_vreg.gather [hbm4b:s28+s3], $0x80, v53, vm14, $0xb8;
	[tilespmem:$0x12700] =	vst v63  }
0x162: {  	v59 =	vperm.xlane v19, v14;
	v58 =	vadd.s32 v4, v57;
	s31 =	sadd.s32 $0x3C80, s29  }
0x163: {  	[tilespmem:s31], [sflag:$0x1] =	stream.indirect_vreg.gather [hbm4b:s28+s3], $0x80, v20, vm14, $0xb8;
	[tilespmem:$0x12700] =	vst v63  }
0x164: {  	v60 =	vperm.xlane v19, v15;
	s31 =	sadd.s32 $0x3D00, s29;
	v20 =	vadd.s32 v4, v59  }
0x165: {  	[tilespmem:s31], [sflag:$0x1] =	stream.indirect_vreg.gather [hbm4b:s28+s3], $0x80, v56, vm14, $0xb8;
	[tilespmem:$0x12700] =	vst v63  }
0x166: {  	v62 =	vperm.xlane v19, v16;
	v61 =	vadd.s32 v4, v60;
	s31 =	sadd.s32 $0x3D80, s29  }
0x167: {  	[tilespmem:s31], [sflag:$0x1] =	stream.indirect_vreg.gather [hbm4b:s28+s3], $0x80, v58, vm14, $0xb8;
	[tilespmem:$0x12700] =	vst v63  }
0x168: {  	v19 =	vperm.xlane v19, v17;
	v63 =	vadd.s32 v4, v62;
	s31 =	sadd.s32 $0x3E00, s29  }
0x169: {  	[tilespmem:s31], [sflag:$0x1] =	stream.indirect_vreg.gather [hbm4b:s28+s3], $0x80, v20, vm14, $0xb8;
	[tilespmem:$0x12700] =	vst v63  }
0x16a: {  	p0 =	sne.s32 s26, $0x30000;
	v19 =	vadd.s32 v4, v19;
	s31 =	sadd.s32 $0x3E80, s29  }
0x16b: {  	[tilespmem:s31], [sflag:$0x1] =	stream.indirect_vreg.gather [hbm4b:s28+s3], $0x80, v61, vm14, $0xb8;
	[tilespmem:$0x12700] =	vst v63  }
.Ltmp12:
0x16c: {  	s31 =	sadd.s32 $0x3F00, s29;
	(pc) =	sbr.rel @p0 .LBB2_21-.Ltmp12, $4  }
0x16d: {  	[tilespmem:s31], [sflag:$0x1] =	stream.indirect_vreg.gather [hbm4b:s28+s3], $0x80, v63, vm14, $0xb8;
	[tilespmem:$0x12700] =	vst v63  }
0x16e: {  	s29 =	sadd.s32 $0x3F80, s29  }
0x16f: {  	[tilespmem:s29], [sflag:$0x1] =	stream.indirect_vreg.gather [hbm4b:s28+s3], $0x80, v19, vm14, $0xb8;
	[tilespmem:$0x12700] =	vst v63  }
0x170: {  	s26 =	sadd.s32 $0x8000, s26;
	s25 =	sadd.s32 $0x400, s25;
	s28 =	sadd.s32 $0x80, s28  }
0x171: {  	s24 =	sadd.s32 $0x1C00, s24  }
0x172: {  	[tilespmem:s15], [sflag:$0x1] =	stream.indirect.gather [hbm4b:s4+s14], $0x80, s24, s14, $0xb8;
	[tilespmem:$0x12700] =	vst v63  }
0x173: {  	_ =	swait.ge [sflag:s16], $0x2000  }
0x174: {  	[sflag:s16] =	ssyncset.done $0x0  }
0x175: {  	[sflag:s16] =	ssyncadd.s32 $0xFFFFE000  }
0x176: {  	_ =	swait.ge [sflag:s16], $0x2000  }
0x177: {  	[sflag:s16] =	ssyncset.done $0x0  }
0x178: {  	[sflag:s16] =	ssyncadd.s32 $0xFFFFE000  }
0x179: {  	_ =	swait.ge [sflag:s16], $0x2000  }
0x17a: {  	[sflag:s16] =	ssyncset.done $0x0  }
0x17b: {  	[sflag:s16] =	ssyncadd.s32 $0xFFFFE000  }
0x17c: {  	_ =	swait.ge [sflag:s16], $0x2000  }
0x17d: {  	[sflag:s16] =	ssyncset.done $0x0  }
0x17e: {  	[sflag:s16] =	ssyncadd.s32 $0xFFFFE000  }
0x17f: {  	_ =	swait.ge [sflag:s16], $0x2000  }
0x180: {  	[sflag:s16] =	ssyncset.done $0x0  }
0x181: {  	[sflag:s16] =	ssyncadd.s32 $0xFFFFE000  }
0x182: {  	_ =	swait.ge [sflag:s16], $0x2000  }
0x183: {  	[sflag:s16] =	ssyncset.done $0x0  }
0x184: {  	[sflag:s16] =	ssyncadd.s32 $0xFFFFE000  }
0x185: {  	_ =	swait.ge [sflag:s16], $0x2000  }
0x186: {  	[sflag:s16] =	ssyncset.done $0x0  }
0x187: {  	[sflag:s16] =	ssyncadd.s32 $0xFFFFE000  }
0x188: {  	_ =	swait.ge [sflag:s16], $0x2000  }
0x189: {  	[sflag:s16] =	ssyncset.done $0x0  }
0x18a: {  	s29 =	simm.s32 $0x0;
	[sflag:s16] =	ssyncadd.s32 $0xFFFFE000  }
0x18b: {  	v21 =	vld [tilespmem:s29+$0x12000]  }
0x18c: {  	v22 =	vld [tilespmem:s29+$0x12400]  }
0x18d: {  	v19 =	vld [tilespmem:s29+$0x12200];
	_ =	sdelay $0x2  }
0x18e: {  	v20 =	vmov s23;
	v23 =	vshll.u32 v21, $0x6  }
0x18f: {  	vm0 =	vgt.s32 v21, $0x37F;
	v24 =	vadd.s32 $0xFFFFFC80, v21;
	v21 =	vand.u32 $0x7F, v21  }
0x190: {  	v22 =	vsub.s32 v22, v20;
	v25 =	vmul.f32 $-5.000000000e-01, v19;
	v23 =	vand.u32 $0xFFFFE000, v23  }
0x191: {  	s30 =	simm.s32 $0x10;
	v21 =	vsel vm0, v24, v21;
	vm0 =	vgt.s32 v22, $0x0;
	vm1 =	vlt.u32 v22, $0x40  }
0x192: {  	v28 =	vld [tilespmem:s30+$0x12400];
	v26 =	vnsel vm0, $0x0, v22;
	v27 =	vand.u32 $0xFFFFFF80, v21;
	v25 =	vmul.f32 v25, v19  }
0x193: {  	v24 =	vld [tilespmem:s30+$0x12000];
	v29 =	vand.u32 $0x7F, v21;
	v26 =	vmin.u32 v26, $0x3F;
	v23 =	vadd.s32 v23, v27  }
0x194: {  	v21 =	vld [tilespmem:s30+$0x12200];
	v22 =	vshll.u32 v26, $0x7;
	v23 =	vor.u32 v29, v23;
	v25 =	vmul.f32 $1.442695020e+00, v25  }
0x195: {  	v22 =	vadd.s32 v22, v23  }
0x196: {  	(erf) = vpow2.f32 v25  }
0x197: {  	vm15 =	vmmov vm1;
	v26 =	vsub.s32 v28, v20  }
0x198: {  	vm0 =	vlt.u32 v26, $0x40;
	v23 =	vshll.u32 v24, $0x6;
	vm2 =	vgt.s32 v24, $0x37F  }
0x199: {  	v25 =	vadd.s32 $0xFFFFFC80, v24;
	v24 =	vand.u32 $0x7F, v24;
	v27 =	vmul.f32 $-5.000000000e-01, v21  }
0x19a: {  	s31 =	simm.s32 $0x20;
	v28 =	vand.u32 $0xFFFFE000, v23;
	v23 =	vld.idx.msk [tilespmem:v22+s17+$0x0], vm1;
	v22 =	vsel vm2, v25, v24;
	vm1 =	vgt.s32 v26, $0x0  }
0x19b: {  	v30 =	vmul.f32 v27, v21;
	v24 =	vld [tilespmem:s31+$0x12000];
	v26 =	vnsel vm1, $0x0, v26;
	v29 =	vand.u32 $0xFFFFFF80, v22  }
0x19c: {  	v25 =	vld [tilespmem:s31+$0x12400];
	v31 =	vand.u32 $0x7F, v22;
	v26 =	vmin.u32 v26, $0x3F;
	v28 =	vadd.s32 v28, v29  }
0x19d: {  	s23 =	simm.s32 $0xC0;
	v22 =	vld [tilespmem:s31+$0x12200];
	v27 =	vshll.u32 v26, $0x7;
	v28 =	vor.u32 v31, v28;
	v26 =	vmul.f32 $1.442695020e+00, v30  }
.LBB2_23:
0x19e: {  	v27 =	vadd.s32 v27, v28;
	vm1 =	vgt.f32 v19, $0.0e+00;
	vm2 =	vlt.f32 v19, $0.0e+00  }
0x19f: {  	p0 =	sne.s32 s23, $0x7C0;
	v28 =	vpop (erf);
	v19 =	vmov v21;
	vm3 =	vmmov vm15;
	vm15 =	vmmov vm0  }
0x1a0: {  	v29 =	vshll.u32 v24, $0x6;
	(erf) = vpow2.f32 v26;
	v26 =	vmul.f32 v28, v23  }
0x1a1: {  	vm4 =	vgt.s32 v24, $0x37F;
	v28 =	vadd.s32 $0xFFFFFC80, v24;
	vm1 =	vmand vm1, vm3  }
0x1a2: {  	v30 =	vand.u32 $0x7F, v24;
	v25 =	vsub.s32 v25, v20;
	v23 =	vnsel vm1, $0x0, v26  }
0x1a3: {  	vm1 =	vmand vm2, vm3;
	v31 =	vmul.f32 $-5.000000000e-01, v22;
	v18 =	vadd.f32 v23, v18;
	v21 =	vmovc v22  }
.Ltmp13:
0x1a4: {  	s24 =	sshra.s32 s23, $0x2;
	v22 =	vand.u32 $0xFFFFE000, v29;
	v26 =	vnsel vm1, $0x0, v26;
	v23 =	vld.idx.msk [tilespmem:v27+s17+$0x0], vm0;
	vm0 =	vlt.u32 v25, $0x40;
	(pc) =	sbr.rel @p0 .LBB2_23-.Ltmp13, $4  }
0x1a5: {  	vm1 =	vgt.s32 v25, $0x0;
	v27 =	vsel vm4, v28, v30;
	v24 =	vld [tilespmem:s24+$0x12000];
	v18 =	vadd.f32 v18, v26  }
0x1a6: {  	v26 =	vnsel vm1, $0x0, v25;
	v28 =	vand.u32 $0xFFFFFF80, v27;
	v29 =	vmul.f32 v31, v21  }
0x1a7: {  	v30 =	vand.u32 $0x7F, v27;
	v26 =	vmin.u32 v26, $0x3F;
	v28 =	vadd.s32 v22, v28;
	v25 =	vld [tilespmem:s24+$0x12400]  }
0x1a8: {  	s23 =	sadd.s32 $0x40, s23;
	v27 =	vshll.u32 v26, $0x7;
	v28 =	vor.u32 v30, v28;
	v26 =	vmul.f32 $1.442695020e+00, v29;
	v22 =	vld [tilespmem:s24+$0x12200]  }
0x1a9: {  	_ =	sdelay $0x2  }
0x1aa: {  	v27 =	vadd.s32 v27, v28;
	v53 =	vshll.u32 v24, $0x6;
	(erf) = vpow2.f32 v26  }
0x1ab: {  	vm1 =	vgt.s32 v24, $0x37F;
	v54 =	vadd.s32 $0xFFFFFC80, v24;
	v29 =	vmul.f32 $-5.000000000e-01, v22  }
0x1ac: {  	v55 =	vand.u32 $0x7F, v24;
	v56 =	vand.u32 $0xFFFFE000, v53;
	v20 =	vsub.s32 v25, v20  }
0x1ad: {  	v24 =	vsel vm1, v54, v55;
	vm1 =	vgt.s32 v20, $0x0;
	v57 =	vmul.f32 v29, v22  }
0x1ae: {  	v26 =	vand.u32 $0xFFFFFF80, v24;
	v24 =	vand.u32 $0x7F, v24;
	v58 =	vnsel vm1, $0x0, v20  }
0x1af: {  	v25 =	vadd.s32 v56, v26;
	v26 =	vmin.u32 v58, $0x3F;
	v28 =	vmul.f32 $1.442695020e+00, v57  }
0x1b0: {  	vm1 =	vlt.u32 v20, $0x40;
	v24 =	vor.u32 v24, v25;
	v20 =	vshll.u32 v26, $0x7  }
0x1b1: {  	v20 =	vadd.s32 v20, v24;
	(erf) = vpow2.f32 v28  }
0x1b2: {  	v59 =	vpop (erf);
	v60 =	vld.idx.msk [tilespmem:v27+s17+$0x0], vm0  }
0x1b3: {  	vm2 =	vgt.f32 v19, $0.0e+00;
	vm3 =	vmmov vm15;
	v23 =	vmul.f32 v59, v23  }
0x1b4: {  	vm4 =	vlt.f32 v19, $0.0e+00;
	vm2 =	vmand vm2, vm3  }
0x1b5: {  	v19 =	vnsel vm2, $0x0, v23;
	vm2 =	vmand vm4, vm3  }
0x1b6: {  	v18 =	vadd.f32 v19, v18;
	v19 =	vnsel vm2, $0x0, v23;
	vm0 =	vmmov vm0;
	v61 =	vpop (erf);
	v20 =	vld.idx.msk [tilespmem:v20+s17+$0x0], vm1  }
0x1b7: {  	vm2 =	vgt.f32 v21, $0.0e+00;
	vm0 =	vmmov vm0;
	v62 =	vmul.f32 v61, v60  }
0x1b8: {  	vm3 =	vlt.f32 v21, $0.0e+00;
	v18 =	vadd.f32 v18, v19;
	vm2 =	vmand vm2, vm0  }
0x1b9: {  	s22 =	sadd.s32 $0x1, s22;
	vm0 =	vmand vm3, vm0;
	v19 =	vnsel vm2, $0x0, v62  }
0x1ba: {  	s23 =	sshll.u32 s22, $0x6;
	vm1 =	vmmov vm1;
	v18 =	vadd.f32 v19, v18;
	v19 =	vnsel vm0, $0x0, v62;
	v63 =	vpop (erf)  }
0x1bb: {  	p0 =	slt.s32 s23, s20;
	vm0 =	vgt.f32 v22, $0.0e+00;
	vm1 =	vmmov vm1;
	v20 =	vmul.f32 v63, v20  }
.Ltmp14:
0x1bc: {  	vm0 =	vmand vm0, vm1;
	v18 =	vadd.f32 v18, v19;
	(pc) =	sbr.rel @p0 .LBB2_20-.Ltmp14, $4  }
.Ltmp15:
0x1bd: {  	vm2 =	vlt.f32 v22, $0.0e+00;
	v19 =	vnsel vm0, $0x0, v20;
	(pc) =	sbr.rel @!p0 .LBB2_25-.Ltmp15, $4  }
0x1be: {  	vm0 =	vmand vm2, vm1;
	v18 =	vadd.f32 v19, v18  }
0x1bf: {  	v19 =	vnsel vm0, $0x0, v20  }
0x1c0: {  	s21 =	sadd.s32 $0x80, s21;
	v18 =	vadd.f32 v18, v19  }
0x1c1: {  	_ = 	snop  }
.LBB2_26:
0x1c2: {  	_ =	sfence.sel $0x180000  }
0x1c3: {  	[bflag:$0x0] =	sbarrier.arrive $0xFFFF  }
0x1c4: {  	p0 =	sne.s32 s2, $0x0;
	_ =	strace $0x90000047  }
0x1c5: {  	s0 =	sadd.s32 @!p0 $0x100000, s0;
	[bflag:$0x2] =	sbarrier.arrive $0xFFFF  }
0x1c6: {  	[sflag:s0] =	ssyncadd.tile.s32 @!p0 $0x1;
	_ =	shalt  }
.Lfunc_end2:
_tile_overlayer_lowered:
.L_overlay_start_2:
0x1c7: {  	(tag) =	ssettag $0x2  }
0x1c8: {  	s0 =	rddreg [dreg:$0x0];
	s2 =	stileid.u32  }
0x1c9: {  	s1 =	rddreg [dreg:$0x1];
	p0 =	sne.s32 s2, $0x0  }
0x1ca: {  	s3 =	rddreg [dreg:$0x2];
	[bflag:$0x3] =	sbarrier.arrive $0xFFFF;
	s2 =	simm.s32 @!p0 $0x1C02  }
0x1cb: {  	[timem:s3], [sflag:s2] =	dma.local @!p0 [hbm:s0], s1  }
0x1cc: {  	s0 =	simm.s32 @!p0 $0x2  }
0x1cd: {  	_ =	swait.ge @!p0 [sflag:s0], s1  }
0x1ce: {  	s1 =	ssub.s32 @!p0 $0x0, s1;
	[sflag:s0] =	ssyncset.done @!p0 $0x0  }
0x1cf: {  	[sflag:s0] =	ssyncadd.s32 @!p0 s1  }
0x1d0: {  	[bflag:$0x3] =	sbarrier.arrive $0xFFFF  }
0x1d1: {  	_ =	shalt  }

</sc_bundles>
